<compile_context>
chip_gen: v7x
topology: tpu7x:2x2x1
jax: 0.10.2.dev20260603
libtpu: 0.0.44.dev20260713+nightly
codegen_flags: <defaults>
</compile_context>

<pallas_src>
import functools

import jax
import jax.numpy as jnp
from jax import lax
from jax.experimental import pallas as pl
from jax.experimental.pallas import tpu as pltpu
from jax.experimental.pallas import tpu_sc as plsc

N = 100000
D = 256

NT = 88000
NSC = N - NT

BLOCK = 4000
GRID = NT // BLOCK


def _tc_body(u_ref, v_ref, o_ref):
    prod = u_ref[...] * v_ref[...]
    ones = jnp.ones((1, D), jnp.float32)
    s = jax.lax.dot_general(
        ones, prod, (((1,), (1,)), ((), ())),
        preferred_element_type=jnp.float32,
    )
    o_ref[...] = s.reshape(1, 1, BLOCK)


def _tc_part(gu, gi):
    out3 = pl.pallas_call(
        _tc_body,
        grid=(GRID,),
        in_specs=[
            pl.BlockSpec((BLOCK, D), lambda i: (i, 0)),
            pl.BlockSpec((BLOCK, D), lambda i: (i, 0)),
        ],
        out_specs=pl.BlockSpec((1, 1, BLOCK), lambda i: (i, 0, 0)),
        out_shape=jax.ShapeDtypeStruct((GRID, 1, BLOCK), jnp.float32),
    )(gu, gi)
    return out3.reshape(NT)


C = 80
CH0 = NT // C
NCHUNK = NSC // C
NW = 32
TPW = (NCHUNK + NW - 1) // NW
BASE_CH = NCHUNK // NW
TRIPS = (TPW + 1) // 2

_mesh = plsc.VectorSubcoreMesh(core_axis_name="c", subcore_axis_name="s")


@functools.partial(
    pl.kernel,
    mesh=_mesh,
    out_type=jax.ShapeDtypeStruct((NSC,), jnp.float32),
    scratch_types=[
        pltpu.VMEM((C, D), jnp.float32),
        pltpu.VMEM((C, D), jnp.float32),
        pltpu.VMEM((C, D), jnp.float32),
        pltpu.VMEM((C, D), jnp.float32),
        pltpu.VMEM((TPW * C + 16,), jnp.float32),
        pltpu.SemaphoreType.DMA,
        pltpu.SemaphoreType.DMA,
        pltpu.SemaphoreType.DMA,
    ],
    compiler_params=pltpu.CompilerParams(needs_layout_passes=False),
)
def _sc_rowdot(gu_hbm, gi_hbm, out_hbm, u0, v0, u1, v1, o_st, s0, s1, so):
    nc = 2
    wid = lax.axis_index("s") * nc + lax.axis_index("c")
    c0 = (wid * NCHUNK) // NW
    c1 = ((wid + 1) * NCHUNK) // NW
    my_n = c1 - c0

    bufs = ((u0, v0, s0), (u1, v1, s1))

    def issue(cid, b):
        u_b, v_b, s_b = bufs[b]
        base = (CH0 + cid) * C
        pltpu.async_copy(gu_hbm.at[pl.ds(base, C), :], u_b, s_b)
        pltpu.async_copy(gi_hbm.at[pl.ds(base, C), :], v_b, s_b)

    def drain(cid, b):
        u_b, v_b, s_b = bufs[b]
        base = (CH0 + cid) * C
        pltpu.make_async_copy(gu_hbm.at[pl.ds(base, C), :], u_b, s_b).wait()
        pltpu.make_async_copy(gi_hbm.at[pl.ds(base, C), :], v_b, s_b).wait()

    lane15 = lax.iota(jnp.int32, 16) == 15

    def compute(t, b):
        u_b, v_b, _ = bufs[b]

        def row_body(r, carry):
            accs = []
            for j in range(16):
                accs.append(
                    u_b[r, pl.ds(16 * j, 16)] * v_b[r, pl.ds(16 * j, 16)]
                )
            while len(accs) > 1:
                accs = [x + y for x, y in zip(accs[::2], accs[1::2])]
            tot = plsc.cumsum(accs[0])
            plsc.store_compressed(
                o_st.at[pl.ds(t * C + r, 16)], tot, mask=lane15
            )
            return carry

        lax.fori_loop(0, C, row_body, 0)

    issue(c0, 0)

    def trip_body(trip, carry):
        for b in range(2):
            t = 2 * trip + b
            cid = c0 + t

            @pl.when(cid < c1)
            def _():
                @pl.when(cid + 1 < c1)
                def _():
                    issue(cid + 1, 1 - b)

                drain(cid, b)
                compute(t, b)

        return carry

    lax.fori_loop(0, TRIPS, trip_body, 0)

    pltpu.async_copy(
        o_st.at[pl.ds(0, BASE_CH * C)],
        out_hbm.at[pl.ds(c0 * C, BASE_CH * C)],
        so,
    ).wait()

    @pl.when(my_n > BASE_CH)
    def _():
        pltpu.async_copy(
            o_st.at[pl.ds(BASE_CH * C, C)],
            out_hbm.at[pl.ds((c0 + BASE_CH) * C, C)],
            so,
        ).wait()


def kernel(gu, gi):
    sc_out = _sc_rowdot(gu, gi)
    tc_out = _tc_part(gu, gi)
    return jnp.concatenate([tc_out, sc_out])

# --- scband reference (transcript-rebuilt; emitter-appended) ---
"""Pipeline reference for scband-graph-sagemodel-78580721648137 (READ-ONLY COPY).

The authoritative reference and input builder live on the scoring server;
editing this copy changes nothing except your own understanding.
"""

import jax, jax.numpy as jnp
import numpy as np

N = 100000
D = 256

def setup_inputs(seed: int = 0) -> dict:
    key = jax.random.key(seed)
    k1, k2 = jax.random.split(key)
    gu = jax.random.normal(k1, (N, D), dtype=jnp.float32)
    gi = jax.random.normal(k2, (N, D), dtype=jnp.float32)
    return {"gu": gu, "gi": gi}

def reference(gu, gi):
    # GraphSAGEModel.forward: inputs=(gu, gi)
    # gamma_u = squeeze(gu); gamma_i = squeeze(gi); xui = sum(gamma_u * gamma_i, dim=1)
    gamma_u = jnp.squeeze(gu)
    gamma_i = jnp.squeeze(gi)
    xui = jnp.sum(gamma_u * gamma_i, axis=1)
    return xui

if __name__ == "__main__":
    import jax
    _d = setup_inputs()
    print(jax.jit(kernel)(*tuple(_d.values())))

</pallas_src>

<mosaic_0001>
#map = affine_map<(d0, d1) -> (0, 0)>
#map1 = affine_map<(d0, d1) -> (0)>
module attributes {stable_mosaic.version = 14 : i64} {
  func.func @_sc_rowdot(%arg0: i32, %arg1: i32, %arg2: memref<100000x256xf32, #tpu.memory_space<hbm>>, %arg3: memref<100000x256xf32, #tpu.memory_space<hbm>>, %arg4: memref<12000xf32, #tpu.memory_space<hbm>>, %arg5: memref<80x256xf32, #tpu.memory_space<vmem>>, %arg6: memref<80x256xf32, #tpu.memory_space<vmem>>, %arg7: memref<80x256xf32, #tpu.memory_space<vmem>>, %arg8: memref<80x256xf32, #tpu.memory_space<vmem>>, %arg9: memref<416xf32, #tpu.memory_space<vmem>>, %arg10: memref<!tpu.dma_semaphore, #tpu.memory_space<semaphore_mem>>, %arg11: memref<!tpu.dma_semaphore, #tpu.memory_space<semaphore_mem>>, %arg12: memref<!tpu.dma_semaphore, #tpu.memory_space<semaphore_mem>>) attributes {dimension_semantics = [#tpu.dimension_semantics<core_parallel>, #tpu.dimension_semantics<subcore_parallel>], iteration_bounds = array<i64: 2, 16>, scalar_prefetch = 0 : i64, scratch_operands = 8 : i64, tpu.core_type = #tpu.core_type<sc_vector_subcore>, window_params = [{transform_indices = #map}, {transform_indices = #map}, {transform_indices = #map1}]} {
    %mul3A = arith.constant 2 : i32
    %mul3A_0 = arith.muli %arg1, %mul3A : i32
    %add3A = arith.addi %mul3A_0, %arg0 : i32
    %mul3A_1 = arith.constant 150 : i32
    %mul3A_2 = arith.muli %add3A, %mul3A_1 : i32
    %jit3A = arith.constant 32 : i32
    %div3A = arith.divsi %mul3A_2, %jit3A : i32
    %sign3A = arith.constant 0 : i32
    %sign3A_3 = arith.cmpi sgt, %mul3A_2, %sign3A : i32
    %sign3A_4 = arith.extui %sign3A_3 : i1 to i32
    %sign3A_5 = arith.constant 0 : i32
    %sign3A_6 = arith.cmpi slt, %mul3A_2, %sign3A_5 : i32
    %sign3A_7 = arith.extui %sign3A_6 : i1 to i32
    %sign3A_8 = arith.subi %sign3A_4, %sign3A_7 : i32
    %sign3A_9 = arith.constant 0 : i32
    %sign3A_10 = arith.cmpi sgt, %jit3A, %sign3A_9 : i32
    %sign3A_11 = arith.extui %sign3A_10 : i1 to i32
    %sign3A_12 = arith.constant 0 : i32
    %sign3A_13 = arith.cmpi slt, %jit3A, %sign3A_12 : i32
    %sign3A_14 = arith.extui %sign3A_13 : i1 to i32
    %sign3A_15 = arith.subi %sign3A_11, %sign3A_14 : i32
    %ne3A = arith.cmpi ne, %sign3A_8, %sign3A_15 : i32
    %rem3A = arith.remsi %mul3A_2, %jit3A : i32
    %ne3A_16 = arith.constant 0 : i32
    %ne3A_17 = arith.cmpi ne, %rem3A, %ne3A_16 : i32
    %and3A = arith.andi %ne3A, %ne3A_17 : i1
    %sub3A = arith.constant 1 : i32
    %sub3A_18 = arith.subi %div3A, %sub3A : i32
    %select_n3A = arith.select %and3A, %sub3A_18, %div3A : i32
    %add3A_19 = arith.constant 1 : i32
    %add3A_20 = arith.addi %add3A, %add3A_19 : i32
    %mul3A_21 = arith.constant 150 : i32
    %mul3A_22 = arith.muli %add3A_20, %mul3A_21 : i32
    %jit3A_23 = arith.constant 32 : i32
    %div3A_24 = arith.divsi %mul3A_22, %jit3A_23 : i32
    %sign3A_25 = arith.constant 0 : i32
    %sign3A_26 = arith.cmpi sgt, %mul3A_22, %sign3A_25 : i32
    %sign3A_27 = arith.extui %sign3A_26 : i1 to i32
    %sign3A_28 = arith.constant 0 : i32
    %sign3A_29 = arith.cmpi slt, %mul3A_22, %sign3A_28 : i32
    %sign3A_30 = arith.extui %sign3A_29 : i1 to i32
    %sign3A_31 = arith.subi %sign3A_27, %sign3A_30 : i32
    %sign3A_32 = arith.constant 0 : i32
    %sign3A_33 = arith.cmpi sgt, %jit3A_23, %sign3A_32 : i32
    %sign3A_34 = arith.extui %sign3A_33 : i1 to i32
    %sign3A_35 = arith.constant 0 : i32
    %sign3A_36 = arith.cmpi slt, %jit3A_23, %sign3A_35 : i32
    %sign3A_37 = arith.extui %sign3A_36 : i1 to i32
    %sign3A_38 = arith.subi %sign3A_34, %sign3A_37 : i32
    %ne3A_39 = arith.cmpi ne, %sign3A_31, %sign3A_38 : i32
    %rem3A_40 = arith.remsi %mul3A_22, %jit3A_23 : i32
    %ne3A_41 = arith.constant 0 : i32
    %ne3A_42 = arith.cmpi ne, %rem3A_40, %ne3A_41 : i32
    %and3A_43 = arith.andi %ne3A_39, %ne3A_42 : i1
    %sub3A_44 = arith.constant 1 : i32
    %sub3A_45 = arith.subi %div3A_24, %sub3A_44 : i32
    %select_n3A_46 = arith.select %and3A_43, %sub3A_45, %div3A_24 : i32
    %sub3A_47 = arith.subi %select_n3A_46, %select_n3A : i32
    %iota3A = tpu.iota {dimensions = array<i32: 0>} : vector<16xi32>
    %eq3A = arith.constant 15 : i32
    %eq3A_48 = vector.broadcast %eq3A : i32 to vector<16xi32>
    %eq3A_49 = arith.cmpi eq, %iota3A, %eq3A_48 : vector<16xi32>
    %add3A_50 = arith.constant 1100 : i32
    %add3A_51 = arith.addi %add3A_50, %select_n3A : i32
    %mul3A_52 = arith.constant 80 : i32
    %mul3A_53 = arith.muli %add3A_51, %mul3A_52 : i32
    %dma_start3A = arith.constant 0 : i32
    %dma_start3A_54 = tpu.memref_slice %arg2[%mul3A_53, %dma_start3A] : memref<100000x256xf32, #tpu.memory_space<hbm>> -> memref<80x256xf32, #tpu.memory_space<hbm>>
    %dma_start3A_55 = arith.constant 0 : i32
    %dma_start3A_56 = tpu.memref_slice %arg2[%mul3A_53, %dma_start3A_55] : memref<100000x256xf32, #tpu.memory_space<hbm>> -> memref<80x256xf32, #tpu.memory_space<hbm>>
    tpu.enqueue_dma source(%dma_start3A_56 : memref<80x256xf32, #tpu.memory_space<hbm>>) target(%arg5 : memref<80x256xf32, #tpu.memory_space<vmem>>) target_semaphore(%arg10 : memref<!tpu.dma_semaphore, #tpu.memory_space<semaphore_mem>>)
    %dma_start3A_57 = arith.constant 0 : i32
    %dma_start3A_58 = tpu.memref_slice %arg3[%mul3A_53, %dma_start3A_57] : memref<100000x256xf32, #tpu.memory_space<hbm>> -> memref<80x256xf32, #tpu.memory_space<hbm>>
    %dma_start3A_59 = arith.constant 0 : i32
    %dma_start3A_60 = tpu.memref_slice %arg3[%mul3A_53, %dma_start3A_59] : memref<100000x256xf32, #tpu.memory_space<hbm>> -> memref<80x256xf32, #tpu.memory_space<hbm>>
    tpu.enqueue_dma source(%dma_start3A_60 : memref<80x256xf32, #tpu.memory_space<hbm>>) target(%arg6 : memref<80x256xf32, #tpu.memory_space<vmem>>) target_semaphore(%arg10 : memref<!tpu.dma_semaphore, #tpu.memory_space<semaphore_mem>>)
    %scan3A = arith.constant 0 : i32
    %scan3A_61 = arith.constant 0 : i32
    %scan3A_62 = arith.constant 3 : i32
    %scan3A_63 = arith.addi %scan3A_61, %scan3A_62 : i32
    %scan3A_64 = arith.constant 1 : i32
    scf.for %scan3A_81 = %scan3A_61 to %scan3A_63 step %scan3A_64  : i32 {
      %mul3A_82 = arith.constant 2 : i32
      %mul3A_83 = arith.muli %mul3A_82, %scan3A_81 : i32
      %add3A_84 = arith.constant 0 : i32
      %add3A_85 = arith.addi %mul3A_83, %add3A_84 : i32
      %add3A_86 = arith.addi %select_n3A, %add3A_85 : i32
      %lt3A = arith.cmpi slt, %add3A_86, %select_n3A_46 : i32
      %convert_element_type3A_87 = arith.extui %lt3A : i1 to i32
      %cond3A_88 = arith.constant 0 : i32
      %cond3A_89 = arith.cmpi ne, %convert_element_type3A_87, %cond3A_88 : i32
      scf.if %cond3A_89 {
        %add3A_99 = arith.constant 1 : i32
        %add3A_100 = arith.addi %add3A_86, %add3A_99 : i32
        %lt3A_101 = arith.cmpi slt, %add3A_100, %select_n3A_46 : i32
        %convert_element_type3A_102 = arith.extui %lt3A_101 : i1 to i32
        %cond3A_103 = arith.constant 0 : i32
        %cond3A_104 = arith.cmpi ne, %convert_element_type3A_102, %cond3A_103 : i32
        scf.if %cond3A_104 {
          %add3A_123 = arith.constant 1 : i32
          %add3A_124 = arith.addi %add3A_86, %add3A_123 : i32
          %add3A_125 = arith.constant 1100 : i32
          %add3A_126 = arith.addi %add3A_125, %add3A_124 : i32
          %mul3A_127 = arith.constant 80 : i32
          %mul3A_128 = arith.muli %add3A_126, %mul3A_127 : i32
          %dma_start3A_129 = arith.constant 0 : i32
          %dma_start3A_130 = tpu.memref_slice %arg2[%mul3A_128, %dma_start3A_129] : memref<100000x256xf32, #tpu.memory_space<hbm>> -> memref<80x256xf32, #tpu.memory_space<hbm>>
          %dma_start3A_131 = arith.constant 0 : i32
          %dma_start3A_132 = tpu.memref_slice %arg2[%mul3A_128, %dma_start3A_131] : memref<100000x256xf32, #tpu.memory_space<hbm>> -> memref<80x256xf32, #tpu.memory_space<hbm>>
          tpu.enqueue_dma source(%dma_start3A_132 : memref<80x256xf32, #tpu.memory_space<hbm>>) target(%arg7 : memref<80x256xf32, #tpu.memory_space<vmem>>) target_semaphore(%arg11 : memref<!tpu.dma_semaphore, #tpu.memory_space<semaphore_mem>>)
          %dma_start3A_133 = arith.constant 0 : i32
          %dma_start3A_134 = tpu.memref_slice %arg3[%mul3A_128, %dma_start3A_133] : memref<100000x256xf32, #tpu.memory_space<hbm>> -> memref<80x256xf32, #tpu.memory_space<hbm>>
          %dma_start3A_135 = arith.constant 0 : i32
          %dma_start3A_136 = tpu.memref_slice %arg3[%mul3A_128, %dma_start3A_135] : memref<100000x256xf32, #tpu.memory_space<hbm>> -> memref<80x256xf32, #tpu.memory_space<hbm>>
          tpu.enqueue_dma source(%dma_start3A_136 : memref<80x256xf32, #tpu.memory_space<hbm>>) target(%arg8 : memref<80x256xf32, #tpu.memory_space<vmem>>) target_semaphore(%arg11 : memref<!tpu.dma_semaphore, #tpu.memory_space<semaphore_mem>>)
        } else {
        }
        %add3A_105 = arith.constant 1100 : i32
        %add3A_106 = arith.addi %add3A_105, %add3A_86 : i32
        %mul3A_107 = arith.constant 80 : i32
        %mul3A_108 = arith.muli %add3A_106, %mul3A_107 : i32
        %dma_wait3A_109 = arith.constant 0 : i32
        %dma_wait3A_110 = tpu.memref_slice %arg2[%mul3A_108, %dma_wait3A_109] : memref<100000x256xf32, #tpu.memory_space<hbm>> -> memref<80x256xf32, #tpu.memory_space<hbm>>
        %dma_wait3A_111 = arith.constant 0 : i32
        %dma_wait3A_112 = tpu.memref_slice %arg2[%mul3A_108, %dma_wait3A_111] : memref<100000x256xf32, #tpu.memory_space<hbm>> -> memref<80x256xf32, #tpu.memory_space<hbm>>
        tpu.wait_dma2 semaphore(%arg10 : memref<!tpu.dma_semaphore, #tpu.memory_space<semaphore_mem>>) src(%dma_wait3A_112 : memref<80x256xf32, #tpu.memory_space<hbm>>) dst(%arg5 : memref<80x256xf32, #tpu.memory_space<vmem>>)
        %dma_wait3A_113 = arith.constant 0 : i32
        %dma_wait3A_114 = tpu.memref_slice %arg3[%mul3A_108, %dma_wait3A_113] : memref<100000x256xf32, #tpu.memory_space<hbm>> -> memref<80x256xf32, #tpu.memory_space<hbm>>
        %dma_wait3A_115 = arith.constant 0 : i32
        %dma_wait3A_116 = tpu.memref_slice %arg3[%mul3A_108, %dma_wait3A_115] : memref<100000x256xf32, #tpu.memory_space<hbm>> -> memref<80x256xf32, #tpu.memory_space<hbm>>
        tpu.wait_dma2 semaphore(%arg10 : memref<!tpu.dma_semaphore, #tpu.memory_space<semaphore_mem>>) src(%dma_wait3A_116 : memref<80x256xf32, #tpu.memory_space<hbm>>) dst(%arg6 : memref<80x256xf32, #tpu.memory_space<vmem>>)
        %scan3A_117 = arith.constant 0 : i32
        %scan3A_118 = arith.constant 0 : i32
        %scan3A_119 = arith.constant 80 : i32
        %scan3A_120 = arith.addi %scan3A_118, %scan3A_119 : i32
        %scan3A_121 = arith.constant 1 : i32
        scf.for %scan3A_123 = %scan3A_118 to %scan3A_120 step %scan3A_121  : i32 {
          %get3A = arith.index_cast %scan3A_123 : i32 to index
          %get3A_124 = arith.constant 0 : index
          %get3A_125 = tpu.vector_load %arg5[%get3A, %get3A_124] {strides = array<i32>} : memref<80x256xf32, #tpu.memory_space<vmem>>, vector<16xf32>,
          %get3A_126 = arith.index_cast %scan3A_123 : i32 to index
          %get3A_127 = arith.constant 0 : index
          %get3A_128 = tpu.vector_load %arg6[%get3A_126, %get3A_127] {strides = array<i32>} : memref<80x256xf32, #tpu.memory_space<vmem>>, vector<16xf32>,
          %mul3A_129 = arith.mulf %get3A_125, %get3A_128 : vector<16xf32>
          %get3A_130 = arith.index_cast %scan3A_123 : i32 to index
          %get3A_131 = arith.constant 16 : index
          %get3A_132 = tpu.vector_load %arg5[%get3A_130, %get3A_131] {strides = array<i32>} : memref<80x256xf32, #tpu.memory_space<vmem>>, vector<16xf32>,
          %get3A_133 = arith.index_cast %scan3A_123 : i32 to index
          %get3A_134 = arith.constant 16 : index
          %get3A_135 = tpu.vector_load %arg6[%get3A_133, %get3A_134] {strides = array<i32>} : memref<80x256xf32, #tpu.memory_space<vmem>>, vector<16xf32>,
          %mul3A_136 = arith.mulf %get3A_132, %get3A_135 : vector<16xf32>
          %get3A_137 = arith.index_cast %scan3A_123 : i32 to index
          %get3A_138 = arith.constant 32 : index
          %get3A_139 = tpu.vector_load %arg5[%get3A_137, %get3A_138] {strides = array<i32>} : memref<80x256xf32, #tpu.memory_space<vmem>>, vector<16xf32>,
          %get3A_140 = arith.index_cast %scan3A_123 : i32 to index
          %get3A_141 = arith.constant 32 : index
          %get3A_142 = tpu.vector_load %arg6[%get3A_140, %get3A_141] {strides = array<i32>} : memref<80x256xf32, #tpu.memory_space<vmem>>, vector<16xf32>,
          %mul3A_143 = arith.mulf %get3A_139, %get3A_142 : vector<16xf32>
          %get3A_144 = arith.index_cast %scan3A_123 : i32 to index
          %get3A_145 = arith.constant 48 : index
          %get3A_146 = tpu.vector_load %arg5[%get3A_144, %get3A_145] {strides = array<i32>} : memref<80x256xf32, #tpu.memory_space<vmem>>, vector<16xf32>,
          %get3A_147 = arith.index_cast %scan3A_123 : i32 to index
          %get3A_148 = arith.constant 48 : index
          %get3A_149 = tpu.vector_load %arg6[%get3A_147, %get3A_148] {strides = array<i32>} : memref<80x256xf32, #tpu.memory_space<vmem>>, vector<16xf32>,
          %mul3A_150 = arith.mulf %get3A_146, %get3A_149 : vector<16xf32>
          %get3A_151 = arith.index_cast %scan3A_123 : i32 to index
          %get3A_152 = arith.constant 64 : index
          %get3A_153 = tpu.vector_load %arg5[%get3A_151, %get3A_152] {strides = array<i32>} : memref<80x256xf32, #tpu.memory_space<vmem>>, vector<16xf32>,
          %get3A_154 = arith.index_cast %scan3A_123 : i32 to index
          %get3A_155 = arith.constant 64 : index
          %get3A_156 = tpu.vector_load %arg6[%get3A_154, %get3A_155] {strides = array<i32>} : memref<80x256xf32, #tpu.memory_space<vmem>>, vector<16xf32>,
          %mul3A_157 = arith.mulf %get3A_153, %get3A_156 : vector<16xf32>
          %get3A_158 = arith.index_cast %scan3A_123 : i32 to index
          %get3A_159 = arith.constant 80 : index
          %get3A_160 = tpu.vector_load %arg5[%get3A_158, %get3A_159] {strides = array<i32>} : memref<80x256xf32, #tpu.memory_space<vmem>>, vector<16xf32>,
          %get3A_161 = arith.index_cast %scan3A_123 : i32 to index
          %get3A_162 = arith.constant 80 : index
          %get3A_163 = tpu.vector_load %arg6[%get3A_161, %get3A_162] {strides = array<i32>} : memref<80x256xf32, #tpu.memory_space<vmem>>, vector<16xf32>,
          %mul3A_164 = arith.mulf %get3A_160, %get3A_163 : vector<16xf32>
          %get3A_165 = arith.index_cast %scan3A_123 : i32 to index
          %get3A_166 = arith.constant 96 : index
          %get3A_167 = tpu.vector_load %arg5[%get3A_165, %get3A_166] {strides = array<i32>} : memref<80x256xf32, #tpu.memory_space<vmem>>, vector<16xf32>,
          %get3A_168 = arith.index_cast %scan3A_123 : i32 to index
          %get3A_169 = arith.constant 96 : index
          %get3A_170 = tpu.vector_load %arg6[%get3A_168, %get3A_169] {strides = array<i32>} : memref<80x256xf32, #tpu.memory_space<vmem>>, vector<16xf32>,
          %mul3A_171 = arith.mulf %get3A_167, %get3A_170 : vector<16xf32>
          %get3A_172 = arith.index_cast %scan3A_123 : i32 to index
          %get3A_173 = arith.constant 112 : index
          %get3A_174 = tpu.vector_load %arg5[%get3A_172, %get3A_173] {strides = array<i32>} : memref<80x256xf32, #tpu.memory_space<vmem>>, vector<16xf32>,
          %get3A_175 = arith.index_cast %scan3A_123 : i32 to index
          %get3A_176 = arith.constant 112 : index
          %get3A_177 = tpu.vector_load %arg6[%get3A_175, %get3A_176] {strides = array<i32>} : memref<80x256xf32, #tpu.memory_space<vmem>>, vector<16xf32>,
          %mul3A_178 = arith.mulf %get3A_174, %get3A_177 : vector<16xf32>
          %get3A_179 = arith.index_cast %scan3A_123 : i32 to index
          %get3A_180 = arith.constant 128 : index
          %get3A_181 = tpu.vector_load %arg5[%get3A_179, %get3A_180] {strides = array<i32>} : memref<80x256xf32, #tpu.memory_space<vmem>>, vector<16xf32>,
          %get3A_182 = arith.index_cast %scan3A_123 : i32 to index
          %get3A_183 = arith.constant 128 : index
          %get3A_184 = tpu.vector_load %arg6[%get3A_182, %get3A_183] {strides = array<i32>} : memref<80x256xf32, #tpu.memory_space<vmem>>, vector<16xf32>,
          %mul3A_185 = arith.mulf %get3A_181, %get3A_184 : vector<16xf32>
          %get3A_186 = arith.index_cast %scan3A_123 : i32 to index
          %get3A_187 = arith.constant 144 : index
          %get3A_188 = tpu.vector_load %arg5[%get3A_186, %get3A_187] {strides = array<i32>} : memref<80x256xf32, #tpu.memory_space<vmem>>, vector<16xf32>,
          %get3A_189 = arith.index_cast %scan3A_123 : i32 to index
          %get3A_190 = arith.constant 144 : index
          %get3A_191 = tpu.vector_load %arg6[%get3A_189, %get3A_190] {strides = array<i32>} : memref<80x256xf32, #tpu.memory_space<vmem>>, vector<16xf32>,
          %mul3A_192 = arith.mulf %get3A_188, %get3A_191 : vector<16xf32>
          %get3A_193 = arith.index_cast %scan3A_123 : i32 to index
          %get3A_194 = arith.constant 160 : index
          %get3A_195 = tpu.vector_load %arg5[%get3A_193, %get3A_194] {strides = array<i32>} : memref<80x256xf32, #tpu.memory_space<vmem>>, vector<16xf32>,
          %get3A_196 = arith.index_cast %scan3A_123 : i32 to index
          %get3A_197 = arith.constant 160 : index
          %get3A_198 = tpu.vector_load %arg6[%get3A_196, %get3A_197] {strides = array<i32>} : memref<80x256xf32, #tpu.memory_space<vmem>>, vector<16xf32>,
          %mul3A_199 = arith.mulf %get3A_195, %get3A_198 : vector<16xf32>
          %get3A_200 = arith.index_cast %scan3A_123 : i32 to index
          %get3A_201 = arith.constant 176 : index
          %get3A_202 = tpu.vector_load %arg5[%get3A_200, %get3A_201] {strides = array<i32>} : memref<80x256xf32, #tpu.memory_space<vmem>>, vector<16xf32>,
          %get3A_203 = arith.index_cast %scan3A_123 : i32 to index
          %get3A_204 = arith.constant 176 : index
          %get3A_205 = tpu.vector_load %arg6[%get3A_203, %get3A_204] {strides = array<i32>} : memref<80x256xf32, #tpu.memory_space<vmem>>, vector<16xf32>,
          %mul3A_206 = arith.mulf %get3A_202, %get3A_205 : vector<16xf32>
          %get3A_207 = arith.index_cast %scan3A_123 : i32 to index
          %get3A_208 = arith.constant 192 : index
          %get3A_209 = tpu.vector_load %arg5[%get3A_207, %get3A_208] {strides = array<i32>} : memref<80x256xf32, #tpu.memory_space<vmem>>, vector<16xf32>,
          %get3A_210 = arith.index_cast %scan3A_123 : i32 to index
          %get3A_211 = arith.constant 192 : index
          %get3A_212 = tpu.vector_load %arg6[%get3A_210, %get3A_211] {strides = array<i32>} : memref<80x256xf32, #tpu.memory_space<vmem>>, vector<16xf32>,
          %mul3A_213 = arith.mulf %get3A_209, %get3A_212 : vector<16xf32>
          %get3A_214 = arith.index_cast %scan3A_123 : i32 to index
          %get3A_215 = arith.constant 208 : index
          %get3A_216 = tpu.vector_load %arg5[%get3A_214, %get3A_215] {strides = array<i32>} : memref<80x256xf32, #tpu.memory_space<vmem>>, vector<16xf32>,
          %get3A_217 = arith.index_cast %scan3A_123 : i32 to index
          %get3A_218 = arith.constant 208 : index
          %get3A_219 = tpu.vector_load %arg6[%get3A_217, %get3A_218] {strides = array<i32>} : memref<80x256xf32, #tpu.memory_space<vmem>>, vector<16xf32>,
          %mul3A_220 = arith.mulf %get3A_216, %get3A_219 : vector<16xf32>
          %get3A_221 = arith.index_cast %scan3A_123 : i32 to index
          %get3A_222 = arith.constant 224 : index
          %get3A_223 = tpu.vector_load %arg5[%get3A_221, %get3A_222] {strides = array<i32>} : memref<80x256xf32, #tpu.memory_space<vmem>>, vector<16xf32>,
          %get3A_224 = arith.index_cast %scan3A_123 : i32 to index
          %get3A_225 = arith.constant 224 : index
          %get3A_226 = tpu.vector_load %arg6[%get3A_224, %get3A_225] {strides = array<i32>} : memref<80x256xf32, #tpu.memory_space<vmem>>, vector<16xf32>,
          %mul3A_227 = arith.mulf %get3A_223, %get3A_226 : vector<16xf32>
          %get3A_228 = arith.index_cast %scan3A_123 : i32 to index
          %get3A_229 = arith.constant 240 : index
          %get3A_230 = tpu.vector_load %arg5[%get3A_228, %get3A_229] {strides = array<i32>} : memref<80x256xf32, #tpu.memory_space<vmem>>, vector<16xf32>,
          %get3A_231 = arith.index_cast %scan3A_123 : i32 to index
          %get3A_232 = arith.constant 240 : index
          %get3A_233 = tpu.vector_load %arg6[%get3A_231, %get3A_232] {strides = array<i32>} : memref<80x256xf32, #tpu.memory_space<vmem>>, vector<16xf32>,
          %mul3A_234 = arith.mulf %get3A_230, %get3A_233 : vector<16xf32>
          %add3A_235 = arith.addf %mul3A_129, %mul3A_136 : vector<16xf32>
          %add3A_236 = arith.addf %mul3A_143, %mul3A_150 : vector<16xf32>
          %add3A_237 = arith.addf %mul3A_157, %mul3A_164 : vector<16xf32>
          %add3A_238 = arith.addf %mul3A_171, %mul3A_178 : vector<16xf32>
          %add3A_239 = arith.addf %mul3A_185, %mul3A_192 : vector<16xf32>
          %add3A_240 = arith.addf %mul3A_199, %mul3A_206 : vector<16xf32>
          %add3A_241 = arith.addf %mul3A_213, %mul3A_220 : vector<16xf32>
          %add3A_242 = arith.addf %mul3A_227, %mul3A_234 : vector<16xf32>
          %add3A_243 = arith.addf %add3A_235, %add3A_236 : vector<16xf32>
          %add3A_244 = arith.addf %add3A_237, %add3A_238 : vector<16xf32>
          %add3A_245 = arith.addf %add3A_239, %add3A_240 : vector<16xf32>
          %add3A_246 = arith.addf %add3A_241, %add3A_242 : vector<16xf32>
          %add3A_247 = arith.addf %add3A_243, %add3A_244 : vector<16xf32>
          %add3A_248 = arith.addf %add3A_245, %add3A_246 : vector<16xf32>
          %add3A_249 = arith.addf %add3A_247, %add3A_248 : vector<16xf32>
          %broadcast_in_dim3A = arith.constant true
          %broadcast_in_dim3A_250 = vector.broadcast %broadcast_in_dim3A : i1 to vector<16xi1>
          %masked_cumsum3A = tpu.scan <sum>, %add3A_249 masked %broadcast_in_dim3A_250 : vector<16xf32>, vector<16xi1> -> vector<16xf32>
          %mul3A_251 = arith.constant 80 : i32
          %mul3A_252 = arith.muli %add3A_85, %mul3A_251 : i32
          %add3A_253 = arith.addi %mul3A_252, %scan3A_123 : i32
          %swap3A = arith.index_cast %add3A_253 : i32 to index
          %swap3A_254 = tpu.vector_load %arg9[%swap3A] masked %eq3A_49 {strides = array<i32>} : memref<416xf32, #tpu.memory_space<vmem>>, vector<16xf32>, vector<16xi1>
          tpu.vector_store %arg9[%swap3A], %masked_cumsum3A masked %eq3A_49 {strides = array<i32>} : memref<416xf32, #tpu.memory_space<vmem>>, vector<16xf32>, vector<16xi1>
        }
        %scan3A_122 = arith.constant 80 : i32
      } else {
      }
      %mul3A_90 = arith.constant 2 : i32
      %mul3A_91 = arith.muli %mul3A_90, %scan3A_81 : i32
      %add3A_92 = arith.constant 1 : i32
      %add3A_93 = arith.addi %mul3A_91, %add3A_92 : i32
      %add3A_94 = arith.addi %select_n3A, %add3A_93 : i32
      %lt3A_95 = arith.cmpi slt, %add3A_94, %select_n3A_46 : i32
      %convert_element_type3A_96 = arith.extui %lt3A_95 : i1 to i32
      %cond3A_97 = arith.constant 0 : i32
      %cond3A_98 = arith.cmpi ne, %convert_element_type3A_96, %cond3A_97 : i32
      scf.if %cond3A_98 {
        %add3A_99 = arith.constant 1 : i32
        %add3A_100 = arith.addi %add3A_94, %add3A_99 : i32
        %lt3A_101 = arith.cmpi slt, %add3A_100, %select_n3A_46 : i32
        %convert_element_type3A_102 = arith.extui %lt3A_101 : i1 to i32
        %cond3A_103 = arith.constant 0 : i32
        %cond3A_104 = arith.cmpi ne, %convert_element_type3A_102, %cond3A_103 : i32
        scf.if %cond3A_104 {
          %add3A_123 = arith.constant 1 : i32
          %add3A_124 = arith.addi %add3A_94, %add3A_123 : i32
          %add3A_125 = arith.constant 1100 : i32
          %add3A_126 = arith.addi %add3A_125, %add3A_124 : i32
          %mul3A_127 = arith.constant 80 : i32
          %mul3A_128 = arith.muli %add3A_126, %mul3A_127 : i32
          %dma_start3A_129 = arith.constant 0 : i32
          %dma_start3A_130 = tpu.memref_slice %arg2[%mul3A_128, %dma_start3A_129] : memref<100000x256xf32, #tpu.memory_space<hbm>> -> memref<80x256xf32, #tpu.memory_space<hbm>>
          %dma_start3A_131 = arith.constant 0 : i32
          %dma_start3A_132 = tpu.memref_slice %arg2[%mul3A_128, %dma_start3A_131] : memref<100000x256xf32, #tpu.memory_space<hbm>> -> memref<80x256xf32, #tpu.memory_space<hbm>>
          tpu.enqueue_dma source(%dma_start3A_132 : memref<80x256xf32, #tpu.memory_space<hbm>>) target(%arg5 : memref<80x256xf32, #tpu.memory_space<vmem>>) target_semaphore(%arg10 : memref<!tpu.dma_semaphore, #tpu.memory_space<semaphore_mem>>)
          %dma_start3A_133 = arith.constant 0 : i32
          %dma_start3A_134 = tpu.memref_slice %arg3[%mul3A_128, %dma_start3A_133] : memref<100000x256xf32, #tpu.memory_space<hbm>> -> memref<80x256xf32, #tpu.memory_space<hbm>>
          %dma_start3A_135 = arith.constant 0 : i32
          %dma_start3A_136 = tpu.memref_slice %arg3[%mul3A_128, %dma_start3A_135] : memref<100000x256xf32, #tpu.memory_space<hbm>> -> memref<80x256xf32, #tpu.memory_space<hbm>>
          tpu.enqueue_dma source(%dma_start3A_136 : memref<80x256xf32, #tpu.memory_space<hbm>>) target(%arg6 : memref<80x256xf32, #tpu.memory_space<vmem>>) target_semaphore(%arg10 : memref<!tpu.dma_semaphore, #tpu.memory_space<semaphore_mem>>)
        } else {
        }
        %add3A_105 = arith.constant 1100 : i32
        %add3A_106 = arith.addi %add3A_105, %add3A_94 : i32
        %mul3A_107 = arith.constant 80 : i32
        %mul3A_108 = arith.muli %add3A_106, %mul3A_107 : i32
        %dma_wait3A_109 = arith.constant 0 : i32
        %dma_wait3A_110 = tpu.memref_slice %arg2[%mul3A_108, %dma_wait3A_109] : memref<100000x256xf32, #tpu.memory_space<hbm>> -> memref<80x256xf32, #tpu.memory_space<hbm>>
        %dma_wait3A_111 = arith.constant 0 : i32
        %dma_wait3A_112 = tpu.memref_slice %arg2[%mul3A_108, %dma_wait3A_111] : memref<100000x256xf32, #tpu.memory_space<hbm>> -> memref<80x256xf32, #tpu.memory_space<hbm>>
        tpu.wait_dma2 semaphore(%arg11 : memref<!tpu.dma_semaphore, #tpu.memory_space<semaphore_mem>>) src(%dma_wait3A_112 : memref<80x256xf32, #tpu.memory_space<hbm>>) dst(%arg7 : memref<80x256xf32, #tpu.memory_space<vmem>>)
        %dma_wait3A_113 = arith.constant 0 : i32
        %dma_wait3A_114 = tpu.memref_slice %arg3[%mul3A_108, %dma_wait3A_113] : memref<100000x256xf32, #tpu.memory_space<hbm>> -> memref<80x256xf32, #tpu.memory_space<hbm>>
        %dma_wait3A_115 = arith.constant 0 : i32
        %dma_wait3A_116 = tpu.memref_slice %arg3[%mul3A_108, %dma_wait3A_115] : memref<100000x256xf32, #tpu.memory_space<hbm>> -> memref<80x256xf32, #tpu.memory_space<hbm>>
        tpu.wait_dma2 semaphore(%arg11 : memref<!tpu.dma_semaphore, #tpu.memory_space<semaphore_mem>>) src(%dma_wait3A_116 : memref<80x256xf32, #tpu.memory_space<hbm>>) dst(%arg8 : memref<80x256xf32, #tpu.memory_space<vmem>>)
        %scan3A_117 = arith.constant 0 : i32
        %scan3A_118 = arith.constant 0 : i32
        %scan3A_119 = arith.constant 80 : i32
        %scan3A_120 = arith.addi %scan3A_118, %scan3A_119 : i32
        %scan3A_121 = arith.constant 1 : i32
        scf.for %scan3A_123 = %scan3A_118 to %scan3A_120 step %scan3A_121  : i32 {
          %get3A = arith.index_cast %scan3A_123 : i32 to index
          %get3A_124 = arith.constant 0 : index
          %get3A_125 = tpu.vector_load %arg7[%get3A, %get3A_124] {strides = array<i32>} : memref<80x256xf32, #tpu.memory_space<vmem>>, vector<16xf32>,
          %get3A_126 = arith.index_cast %scan3A_123 : i32 to index
          %get3A_127 = arith.constant 0 : index
          %get3A_128 = tpu.vector_load %arg8[%get3A_126, %get3A_127] {strides = array<i32>} : memref<80x256xf32, #tpu.memory_space<vmem>>, vector<16xf32>,
          %mul3A_129 = arith.mulf %get3A_125, %get3A_128 : vector<16xf32>
          %get3A_130 = arith.index_cast %scan3A_123 : i32 to index
          %get3A_131 = arith.constant 16 : index
          %get3A_132 = tpu.vector_load %arg7[%get3A_130, %get3A_131] {strides = array<i32>} : memref<80x256xf32, #tpu.memory_space<vmem>>, vector<16xf32>,
          %get3A_133 = arith.index_cast %scan3A_123 : i32 to index
          %get3A_134 = arith.constant 16 : index
          %get3A_135 = tpu.vector_load %arg8[%get3A_133, %get3A_134] {strides = array<i32>} : memref<80x256xf32, #tpu.memory_space<vmem>>, vector<16xf32>,
          %mul3A_136 = arith.mulf %get3A_132, %get3A_135 : vector<16xf32>
          %get3A_137 = arith.index_cast %scan3A_123 : i32 to index
          %get3A_138 = arith.constant 32 : index
          %get3A_139 = tpu.vector_load %arg7[%get3A_137, %get3A_138] {strides = array<i32>} : memref<80x256xf32, #tpu.memory_space<vmem>>, vector<16xf32>,
          %get3A_140 = arith.index_cast %scan3A_123 : i32 to index
          %get3A_141 = arith.constant 32 : index
          %get3A_142 = tpu.vector_load %arg8[%get3A_140, %get3A_141] {strides = array<i32>} : memref<80x256xf32, #tpu.memory_space<vmem>>, vector<16xf32>,
          %mul3A_143 = arith.mulf %get3A_139, %get3A_142 : vector<16xf32>
          %get3A_144 = arith.index_cast %scan3A_123 : i32 to index
          %get3A_145 = arith.constant 48 : index
          %get3A_146 = tpu.vector_load %arg7[%get3A_144, %get3A_145] {strides = array<i32>} : memref<80x256xf32, #tpu.memory_space<vmem>>, vector<16xf32>,
          %get3A_147 = arith.index_cast %scan3A_123 : i32 to index
          %get3A_148 = arith.constant 48 : index
          %get3A_149 = tpu.vector_load %arg8[%get3A_147, %get3A_148] {strides = array<i32>} : memref<80x256xf32, #tpu.memory_space<vmem>>, vector<16xf32>,
          %mul3A_150 = arith.mulf %get3A_146, %get3A_149 : vector<16xf32>
          %get3A_151 = arith.index_cast %scan3A_123 : i32 to index
          %get3A_152 = arith.constant 64 : index
          %get3A_153 = tpu.vector_load %arg7[%get3A_151, %get3A_152] {strides = array<i32>} : memref<80x256xf32, #tpu.memory_space<vmem>>, vector<16xf32>,
          %get3A_154 = arith.index_cast %scan3A_123 : i32 to index
          %get3A_155 = arith.constant 64 : index
          %get3A_156 = tpu.vector_load %arg8[%get3A_154, %get3A_155] {strides = array<i32>} : memref<80x256xf32, #tpu.memory_space<vmem>>, vector<16xf32>,
          %mul3A_157 = arith.mulf %get3A_153, %get3A_156 : vector<16xf32>
          %get3A_158 = arith.index_cast %scan3A_123 : i32 to index
          %get3A_159 = arith.constant 80 : index
          %get3A_160 = tpu.vector_load %arg7[%get3A_158, %get3A_159] {strides = array<i32>} : memref<80x256xf32, #tpu.memory_space<vmem>>, vector<16xf32>,
          %get3A_161 = arith.index_cast %scan3A_123 : i32 to index
          %get3A_162 = arith.constant 80 : index
          %get3A_163 = tpu.vector_load %arg8[%get3A_161, %get3A_162] {strides = array<i32>} : memref<80x256xf32, #tpu.memory_space<vmem>>, vector<16xf32>,
          %mul3A_164 = arith.mulf %get3A_160, %get3A_163 : vector<16xf32>
          %get3A_165 = arith.index_cast %scan3A_123 : i32 to index
          %get3A_166 = arith.constant 96 : index
          %get3A_167 = tpu.vector_load %arg7[%get3A_165, %get3A_166] {strides = array<i32>} : memref<80x256xf32, #tpu.memory_space<vmem>>, vector<16xf32>,
          %get3A_168 = arith.index_cast %scan3A_123 : i32 to index
          %get3A_169 = arith.constant 96 : index
          %get3A_170 = tpu.vector_load %arg8[%get3A_168, %get3A_169] {strides = array<i32>} : memref<80x256xf32, #tpu.memory_space<vmem>>, vector<16xf32>,
          %mul3A_171 = arith.mulf %get3A_167, %get3A_170 : vector<16xf32>
          %get3A_172 = arith.index_cast %scan3A_123 : i32 to index
          %get3A_173 = arith.constant 112 : index
          %get3A_174 = tpu.vector_load %arg7[%get3A_172, %get3A_173] {strides = array<i32>} : memref<80x256xf32, #tpu.memory_space<vmem>>, vector<16xf32>,
          %get3A_175 = arith.index_cast %scan3A_123 : i32 to index
          %get3A_176 = arith.constant 112 : index
          %get3A_177 = tpu.vector_load %arg8[%get3A_175, %get3A_176] {strides = array<i32>} : memref<80x256xf32, #tpu.memory_space<vmem>>, vector<16xf32>,
          %mul3A_178 = arith.mulf %get3A_174, %get3A_177 : vector<16xf32>
          %get3A_179 = arith.index_cast %scan3A_123 : i32 to index
          %get3A_180 = arith.constant 128 : index
          %get3A_181 = tpu.vector_load %arg7[%get3A_179, %get3A_180] {strides = array<i32>} : memref<80x256xf32, #tpu.memory_space<vmem>>, vector<16xf32>,
          %get3A_182 = arith.index_cast %scan3A_123 : i32 to index
          %get3A_183 = arith.constant 128 : index
          %get3A_184 = tpu.vector_load %arg8[%get3A_182, %get3A_183] {strides = array<i32>} : memref<80x256xf32, #tpu.memory_space<vmem>>, vector<16xf32>,
          %mul3A_185 = arith.mulf %get3A_181, %get3A_184 : vector<16xf32>
          %get3A_186 = arith.index_cast %scan3A_123 : i32 to index
          %get3A_187 = arith.constant 144 : index
          %get3A_188 = tpu.vector_load %arg7[%get3A_186, %get3A_187] {strides = array<i32>} : memref<80x256xf32, #tpu.memory_space<vmem>>, vector<16xf32>,
          %get3A_189 = arith.index_cast %scan3A_123 : i32 to index
          %get3A_190 = arith.constant 144 : index
          %get3A_191 = tpu.vector_load %arg8[%get3A_189, %get3A_190] {strides = array<i32>} : memref<80x256xf32, #tpu.memory_space<vmem>>, vector<16xf32>,
          %mul3A_192 = arith.mulf %get3A_188, %get3A_191 : vector<16xf32>
          %get3A_193 = arith.index_cast %scan3A_123 : i32 to index
          %get3A_194 = arith.constant 160 : index
          %get3A_195 = tpu.vector_load %arg7[%get3A_193, %get3A_194] {strides = array<i32>} : memref<80x256xf32, #tpu.memory_space<vmem>>, vector<16xf32>,
          %get3A_196 = arith.index_cast %scan3A_123 : i32 to index
          %get3A_197 = arith.constant 160 : index
          %get3A_198 = tpu.vector_load %arg8[%get3A_196, %get3A_197] {strides = array<i32>} : memref<80x256xf32, #tpu.memory_space<vmem>>, vector<16xf32>,
          %mul3A_199 = arith.mulf %get3A_195, %get3A_198 : vector<16xf32>
          %get3A_200 = arith.index_cast %scan3A_123 : i32 to index
          %get3A_201 = arith.constant 176 : index
          %get3A_202 = tpu.vector_load %arg7[%get3A_200, %get3A_201] {strides = array<i32>} : memref<80x256xf32, #tpu.memory_space<vmem>>, vector<16xf32>,
          %get3A_203 = arith.index_cast %scan3A_123 : i32 to index
          %get3A_204 = arith.constant 176 : index
          %get3A_205 = tpu.vector_load %arg8[%get3A_203, %get3A_204] {strides = array<i32>} : memref<80x256xf32, #tpu.memory_space<vmem>>, vector<16xf32>,
          %mul3A_206 = arith.mulf %get3A_202, %get3A_205 : vector<16xf32>
          %get3A_207 = arith.index_cast %scan3A_123 : i32 to index
          %get3A_208 = arith.constant 192 : index
          %get3A_209 = tpu.vector_load %arg7[%get3A_207, %get3A_208] {strides = array<i32>} : memref<80x256xf32, #tpu.memory_space<vmem>>, vector<16xf32>,
          %get3A_210 = arith.index_cast %scan3A_123 : i32 to index
          %get3A_211 = arith.constant 192 : index
          %get3A_212 = tpu.vector_load %arg8[%get3A_210, %get3A_211] {strides = array<i32>} : memref<80x256xf32, #tpu.memory_space<vmem>>, vector<16xf32>,
          %mul3A_213 = arith.mulf %get3A_209, %get3A_212 : vector<16xf32>
          %get3A_214 = arith.index_cast %scan3A_123 : i32 to index
          %get3A_215 = arith.constant 208 : index
          %get3A_216 = tpu.vector_load %arg7[%get3A_214, %get3A_215] {strides = array<i32>} : memref<80x256xf32, #tpu.memory_space<vmem>>, vector<16xf32>,
          %get3A_217 = arith.index_cast %scan3A_123 : i32 to index
          %get3A_218 = arith.constant 208 : index
          %get3A_219 = tpu.vector_load %arg8[%get3A_217, %get3A_218] {strides = array<i32>} : memref<80x256xf32, #tpu.memory_space<vmem>>, vector<16xf32>,
          %mul3A_220 = arith.mulf %get3A_216, %get3A_219 : vector<16xf32>
          %get3A_221 = arith.index_cast %scan3A_123 : i32 to index
          %get3A_222 = arith.constant 224 : index
          %get3A_223 = tpu.vector_load %arg7[%get3A_221, %get3A_222] {strides = array<i32>} : memref<80x256xf32, #tpu.memory_space<vmem>>, vector<16xf32>,
          %get3A_224 = arith.index_cast %scan3A_123 : i32 to index
          %get3A_225 = arith.constant 224 : index
          %get3A_226 = tpu.vector_load %arg8[%get3A_224, %get3A_225] {strides = array<i32>} : memref<80x256xf32, #tpu.memory_space<vmem>>, vector<16xf32>,
          %mul3A_227 = arith.mulf %get3A_223, %get3A_226 : vector<16xf32>
          %get3A_228 = arith.index_cast %scan3A_123 : i32 to index
          %get3A_229 = arith.constant 240 : index
          %get3A_230 = tpu.vector_load %arg7[%get3A_228, %get3A_229] {strides = array<i32>} : memref<80x256xf32, #tpu.memory_space<vmem>>, vector<16xf32>,
          %get3A_231 = arith.index_cast %scan3A_123 : i32 to index
          %get3A_232 = arith.constant 240 : index
          %get3A_233 = tpu.vector_load %arg8[%get3A_231, %get3A_232] {strides = array<i32>} : memref<80x256xf32, #tpu.memory_space<vmem>>, vector<16xf32>,
          %mul3A_234 = arith.mulf %get3A_230, %get3A_233 : vector<16xf32>
          %add3A_235 = arith.addf %mul3A_129, %mul3A_136 : vector<16xf32>
          %add3A_236 = arith.addf %mul3A_143, %mul3A_150 : vector<16xf32>
          %add3A_237 = arith.addf %mul3A_157, %mul3A_164 : vector<16xf32>
          %add3A_238 = arith.addf %mul3A_171, %mul3A_178 : vector<16xf32>
          %add3A_239 = arith.addf %mul3A_185, %mul3A_192 : vector<16xf32>
          %add3A_240 = arith.addf %mul3A_199, %mul3A_206 : vector<16xf32>
          %add3A_241 = arith.addf %mul3A_213, %mul3A_220 : vector<16xf32>
          %add3A_242 = arith.addf %mul3A_227, %mul3A_234 : vector<16xf32>
          %add3A_243 = arith.addf %add3A_235, %add3A_236 : vector<16xf32>
          %add3A_244 = arith.addf %add3A_237, %add3A_238 : vector<16xf32>
          %add3A_245 = arith.addf %add3A_239, %add3A_240 : vector<16xf32>
          %add3A_246 = arith.addf %add3A_241, %add3A_242 : vector<16xf32>
          %add3A_247 = arith.addf %add3A_243, %add3A_244 : vector<16xf32>
          %add3A_248 = arith.addf %add3A_245, %add3A_246 : vector<16xf32>
          %add3A_249 = arith.addf %add3A_247, %add3A_248 : vector<16xf32>
          %broadcast_in_dim3A = arith.constant true
          %broadcast_in_dim3A_250 = vector.broadcast %broadcast_in_dim3A : i1 to vector<16xi1>
          %masked_cumsum3A = tpu.scan <sum>, %add3A_249 masked %broadcast_in_dim3A_250 : vector<16xf32>, vector<16xi1> -> vector<16xf32>
          %mul3A_251 = arith.constant 80 : i32
          %mul3A_252 = arith.muli %add3A_93, %mul3A_251 : i32
          %add3A_253 = arith.addi %mul3A_252, %scan3A_123 : i32
          %swap3A = arith.index_cast %add3A_253 : i32 to index
          %swap3A_254 = tpu.vector_load %arg9[%swap3A] masked %eq3A_49 {strides = array<i32>} : memref<416xf32, #tpu.memory_space<vmem>>, vector<16xf32>, vector<16xi1>
          tpu.vector_store %arg9[%swap3A], %masked_cumsum3A masked %eq3A_49 {strides = array<i32>} : memref<416xf32, #tpu.memory_space<vmem>>, vector<16xf32>, vector<16xi1>
        }
        %scan3A_122 = arith.constant 80 : i32
      } else {
      }
    }
    %scan3A_65 = arith.constant 3 : i32
    %mul3A_66 = arith.constant 80 : i32
    %mul3A_67 = arith.muli %select_n3A, %mul3A_66 : i32
    %dma_start3A_68 = arith.constant 0 : i32
    %dma_start3A_69 = tpu.memref_slice %arg9[%dma_start3A_68] : memref<416xf32, #tpu.memory_space<vmem>> -> memref<320xf32, #tpu.memory_space<vmem>>
    %dma_start3A_70 = tpu.memref_slice %arg4[%mul3A_67] : memref<12000xf32, #tpu.memory_space<hbm>> -> memref<320xf32, #tpu.memory_space<hbm>>
    %dma_start3A_71 = tpu.memref_slice %arg4[%mul3A_67] : memref<12000xf32, #tpu.memory_space<hbm>> -> memref<320xf32, #tpu.memory_space<hbm>>
    %dma_start3A_72 = arith.constant 0 : i32
    %dma_start3A_73 = tpu.memref_slice %arg9[%dma_start3A_72] : memref<416xf32, #tpu.memory_space<vmem>> -> memref<320xf32, #tpu.memory_space<vmem>>
    tpu.enqueue_dma source(%dma_start3A_73 : memref<320xf32, #tpu.memory_space<vmem>>) target(%dma_start3A_71 : memref<320xf32, #tpu.memory_space<hbm>>) target_semaphore(%arg12 : memref<!tpu.dma_semaphore, #tpu.memory_space<semaphore_mem>>)
    %dma_wait3A = arith.constant 0 : i32
    %dma_wait3A_74 = tpu.memref_slice %arg9[%dma_wait3A] : memref<416xf32, #tpu.memory_space<vmem>> -> memref<320xf32, #tpu.memory_space<vmem>>
    %dma_wait3A_75 = tpu.memref_slice %arg4[%mul3A_67] : memref<12000xf32, #tpu.memory_space<hbm>> -> memref<320xf32, #tpu.memory_space<hbm>>
    %dma_wait3A_76 = tpu.memref_slice %arg4[%mul3A_67] : memref<12000xf32, #tpu.memory_space<hbm>> -> memref<320xf32, #tpu.memory_space<hbm>>
    %dma_wait3A_77 = arith.constant 0 : i32
    %dma_wait3A_78 = tpu.memref_slice %arg9[%dma_wait3A_77] : memref<416xf32, #tpu.memory_space<vmem>> -> memref<320xf32, #tpu.memory_space<vmem>>
    tpu.wait_dma2 semaphore(%arg12 : memref<!tpu.dma_semaphore, #tpu.memory_space<semaphore_mem>>) src(%dma_wait3A_78 : memref<320xf32, #tpu.memory_space<vmem>>) dst(%dma_wait3A_76 : memref<320xf32, #tpu.memory_space<hbm>>)
    %gt3A = arith.constant 4 : i32
    %gt3A_79 = arith.cmpi sgt, %sub3A_47, %gt3A : i32
    %convert_element_type3A = arith.extui %gt3A_79 : i1 to i32
    %cond3A = arith.constant 0 : i32
    %cond3A_80 = arith.cmpi ne, %convert_element_type3A, %cond3A : i32
    scf.if %cond3A_80 {
      %add3A_81 = arith.constant 4 : i32
      %add3A_82 = arith.addi %select_n3A, %add3A_81 : i32
      %mul3A_83 = arith.constant 80 : i32
      %mul3A_84 = arith.muli %add3A_82, %mul3A_83 : i32
      %dma_start3A_85 = arith.constant 320 : i32
      %dma_start3A_86 = tpu.memref_slice %arg9[%dma_start3A_85] : memref<416xf32, #tpu.memory_space<vmem>> -> memref<80xf32, #tpu.memory_space<vmem>>
      %dma_start3A_87 = tpu.memref_slice %arg4[%mul3A_84] : memref<12000xf32, #tpu.memory_space<hbm>> -> memref<80xf32, #tpu.memory_space<hbm>>
      %dma_start3A_88 = tpu.memref_slice %arg4[%mul3A_84] : memref<12000xf32, #tpu.memory_space<hbm>> -> memref<80xf32, #tpu.memory_space<hbm>>
      %dma_start3A_89 = arith.constant 320 : i32
      %dma_start3A_90 = tpu.memref_slice %arg9[%dma_start3A_89] : memref<416xf32, #tpu.memory_space<vmem>> -> memref<80xf32, #tpu.memory_space<vmem>>
      tpu.enqueue_dma source(%dma_start3A_90 : memref<80xf32, #tpu.memory_space<vmem>>) target(%dma_start3A_88 : memref<80xf32, #tpu.memory_space<hbm>>) target_semaphore(%arg12 : memref<!tpu.dma_semaphore, #tpu.memory_space<semaphore_mem>>)
      %dma_wait3A_91 = arith.constant 320 : i32
      %dma_wait3A_92 = tpu.memref_slice %arg9[%dma_wait3A_91] : memref<416xf32, #tpu.memory_space<vmem>> -> memref<80xf32, #tpu.memory_space<vmem>>
      %dma_wait3A_93 = tpu.memref_slice %arg4[%mul3A_84] : memref<12000xf32, #tpu.memory_space<hbm>> -> memref<80xf32, #tpu.memory_space<hbm>>
      %dma_wait3A_94 = tpu.memref_slice %arg4[%mul3A_84] : memref<12000xf32, #tpu.memory_space<hbm>> -> memref<80xf32, #tpu.memory_space<hbm>>
      %dma_wait3A_95 = arith.constant 320 : i32
      %dma_wait3A_96 = tpu.memref_slice %arg9[%dma_wait3A_95] : memref<416xf32, #tpu.memory_space<vmem>> -> memref<80xf32, #tpu.memory_space<vmem>>
      tpu.wait_dma2 semaphore(%arg12 : memref<!tpu.dma_semaphore, #tpu.memory_space<semaphore_mem>>) src(%dma_wait3A_96 : memref<80xf32, #tpu.memory_space<vmem>>) dst(%dma_wait3A_94 : memref<80xf32, #tpu.memory_space<hbm>>)
    } else {
    }
    return
  }
}

module attributes {stable_mosaic.version = 14 : i64} {
  func.func @_tc_body(%arg0: i32, %arg1: memref<4000x256xf32, #tpu.memory_space<vmem>>, %arg2: memref<4000x256xf32, #tpu.memory_space<vmem>>, %arg3: memref<1x1x4000xf32, #tpu.memory_space<vmem>>) attributes {dimension_semantics = [#tpu.dimension_semantics<arbitrary>], iteration_bounds = array<i64: 22>, scalar_prefetch = 0 : i64, scratch_operands = 0 : i64, tpu.core_type = #tpu.core_type<tc>, window_params = [{transform_indices = @transform_0, window_bounds = array<i64: 4000, 256>}, {transform_indices = @transform_1, window_bounds = array<i64: 4000, 256>}, {transform_indices = @transform_2, window_bounds = array<i64: 1, 1, 4000>}]} {
    %get3A = arith.constant 0 : index
    %get3A_0 = arith.constant 0 : index
    %get3A_1 = vector.load %arg1[%get3A, %get3A_0] : memref<4000x256xf32, #tpu.memory_space<vmem>>, vector<4000x256xf32>
    %get3A_2 = arith.constant 0 : index
    %get3A_3 = arith.constant 0 : index
    %get3A_4 = vector.load %arg2[%get3A_2, %get3A_3] : memref<4000x256xf32, #tpu.memory_space<vmem>>, vector<4000x256xf32>
    %mul3A = arith.mulf %get3A_1, %get3A_4 : vector<4000x256xf32>
    %broadcast_in_dim3A = arith.constant 1.000000e+00 : f32
    %broadcast_in_dim3A_5 = vector.broadcast %broadcast_in_dim3A : f32 to vector<1x256xf32>
    %dot_general3A = arith.constant dense<0.000000e+00> : vector<1x4000xf32>
    %dot_general3A_6 = tpu.matmul %broadcast_in_dim3A_5, %mul3A, %dot_general3A {dimension_numbers = #tpu.dot_dimension_numbers<[1], [1], [0], [0], [0, 0, 1, 0], [], []>, transpose_lhs_hint = false} : vector<1x256xf32>, vector<4000x256xf32>, vector<1x4000xf32> -> vector<1x4000xf32>
    %reshape3A = vector.shape_cast %dot_general3A_6 : vector<1x4000xf32> to vector<1x1x4000xf32>
    %swap3A = arith.constant 0 : index
    %swap3A_7 = arith.constant 0 : index
    %swap3A_8 = arith.constant 0 : index
    %swap3A_9 = vector.load %arg3[%swap3A, %swap3A_7, %swap3A_8] : memref<1x1x4000xf32, #tpu.memory_space<vmem>>, vector<1x1x4000xf32>
    tpu.vector_store %arg3[%swap3A, %swap3A_7, %swap3A_8], %reshape3A {strides = array<i32>} : memref<1x1x4000xf32, #tpu.memory_space<vmem>>, vector<1x1x4000xf32>,
    return
  }
  func.func @transform_0(%arg0: i32) -> (i32, i32) {
    %c0_i32 = arith.constant 0 : i32
    %c0_i32_0 = arith.constant 0 : i32
    return %arg0, %c0_i32 : i32, i32
  }
  func.func @transform_1(%arg0: i32) -> (i32, i32) {
    %c0_i32 = arith.constant 0 : i32
    %c0_i32_0 = arith.constant 0 : i32
    return %arg0, %c0_i32 : i32, i32
  }
  func.func @transform_2(%arg0: i32) -> (i32, i32, i32) {
    %c0_i32 = arith.constant 0 : i32
    %c0_i32_0 = arith.constant 0 : i32
    %c0_i32_1 = arith.constant 0 : i32
    return %arg0, %c0_i32, %c0_i32_0 : i32, i32, i32
  }
}

</mosaic_0001>

<sc_bundles>
// kernel: kernel.4.cloned.1.call-start
scs
__scs_entry_jumppad:
0x0: {  	(pc) =	sbr.rel $0x88, $3  }
0x1: {  	(tag) =	ssettag $0x0;
	lr =	simm.s32 $0x1  }
0x2: {  	[smem:$0x3F9F] =	sst lr;
	_ =	strace $0xD0000000  }
0x3: {  	_ = 	snop  }
0x4: {  	_ = 	snop  }
0x5: {  	_ = 	snop  }
0x6: {  	_ = 	snop  }
0x7: {  	_ = 	snop  }
__scs_overlays_trampoline_lowered:
0x8: {  	[smem:$0x3FAE] =	sst s0  }
0x9: {  	[smem:$0x3FAF] =	sst s1  }
0xa: {  	[smem:$0x3FB0] =	sst s2  }
0xb: {  	[smem:$0x3FB1] =	sst s3  }
0xc: {  	[smem:$0x3FB2] =	sst s4  }
0xd: {  	[smem:$0x3FB3] =	sst s5  }
0xe: {  	[smem:$0x3FB4] =	sst s6  }
0xf: {  	[smem:$0x3FB5] =	sst s7  }
0x10: {  	[smem:$0x3FB6] =	sst s8  }
0x11: {  	[smem:$0x3FB7] =	sst s9;
	s0 =	simm.s32 @!p0 $0x0  }
0x12: {  	s1 =	sld [smem:$0x3F9D];
	s0 =	simm.s32 @p0 $0x1  }
0x13: {  	[smem:$0x3FB8] =	sst s0;
	s0 =	simm.s32 @!p1 $0x0  }
0x14: {  	s2 =	sld [smem:$0x3F9C];
	s0 =	simm.s32 @p1 $0x1  }
0x15: {  	[smem:$0x3FB9] =	sst s0;
	s0 =	simm.s32 @!p2 $0x0  }
0x16: {  	s3 =	sld [smem:$0x3FDB];
	s0 =	simm.s32 @p2 $0x1  }
0x17: {  	s4 =	simm.s32 $0x1BF5;
	[smem:$0x3FBB] =	sst s0  }
0x18: {  	s0 =	sld [smem:$0x3F9E];
	_ =	swait.ge [sflag:s4], $0x0  }
0x19: {  	s7 =	sld [smem:$0x3F9F]  }
0x1a: {  	s8 =	sadd.s32 $0xFFFFE003, lr  }
0x1b: {  	s9 =	sadd.s32 $0xFFFFFEF7, lr;
	s5 =	simm.s32 $0xFFFFFFFF;
	p2 =	slt.u32 s8, $0xFFFFF086  }
0x1c: {  	p1 =	slt.u32 s9, $0xF7A;
	s5 =	simm.s32 @!p2 $0x0  }
0x1d: {  	s5 =	simm.s32 @p1 $0x1;
	p0 =	seq.s32 s7, s2  }
0x1e: {  	s7 =	smul.u32 @!p0 $0xF7A, s2;
	p2 =	seq.s32 @!p0 s5, $0x0  }
0x1f: {  	s9 =	smul.u32 $0xF7A, s1;
	s8 =	simm.s32 @!p0 $0x1BF5;
	p2 =	por !p2, p0  }
0x20: {  	[sflag:s8] =	ssyncset.s32 @!p0 $0xFFFFF086;
	s6 =	sadd.s32 @!p0 s3, s7;
	s7 =	simm.s32 @!p0 $0x108  }
0x21: {  	s3 =	sadd.s32 s3, s9;
	s6 =	sadd.s32 @!p0 $0x88, s6;
	s7 =	simm.s32 @p2 $0x1082  }
0x22: {  	[simem:s7], [sflag:s8] =	dma.local @!p0 [hbm:s6], $0xF7A  }
0x23: {  	s9 =	sor.u32 $0xD0000000, s2;
	s6 =	simm.s32 $0x108;
	_ =	swait.ge @!p0 [sflag:s8], $0x0  }
0x24: {  	s3 =	sadd.s32 $0x88, s3;
	s6 =	simm.s32 @!p1 $0x1082;
	[sflag:s4] =	ssyncset.s32 $0xFFFFF086  }
0x25: {  	[simem:s6], [sflag:s4] =	dma.local [hbm:s3], $0xF7A  }
0x26: {  	[smem:$0x3F9F] =	sst s1;
	(tag) =	ssettag s2;
	_ =	strace s9  }
0x27: {  	s1 =	sld [smem:$0x3FAF]  }
0x28: {  	s2 =	sld [smem:$0x3FB0]  }
0x29: {  	s4 =	sld [smem:$0x3FB2]  }
0x2a: {  	p0 =	seq.s32 s5, $0x0;
	s5 =	sld [smem:$0x3FB3]  }
0x2b: {  	s6 =	sld [smem:$0x3FB4]  }
0x2c: {  	s7 =	sld [smem:$0x3FB5]  }
0x2d: {  	s3 =	simm.s32 $0x108;
	s8 =	sld [smem:$0x3FB6]  }
0x2e: {  	s3 =	simm.s32 @!p0 $0x1082;
	s9 =	sld [smem:$0x3FB7]  }
0x2f: {  	lr =	sadd.s32 s0, s3;
	s0 =	sld [smem:$0x3FAE]  }
0x30: {  	s3 =	sld [smem:$0x3FB1]  }
0x31: {  	[smem:$0x3FBA] =	sst s10  }
0x32: {  	s10 =	sld [smem:$0x3FB8];
	_ =	sdelay $0x3  }
0x33: {  	p0 =	seq.s32 s10, $0x1;
	s10 =	sld [smem:$0x3FBA];
	_ =	sdelay $0x3  }
0x34: {  	[smem:$0x3FBA] =	sst s10  }
0x35: {  	s10 =	sld [smem:$0x3FB9];
	_ =	sdelay $0x3  }
0x36: {  	p1 =	seq.s32 s10, $0x1;
	s10 =	sld [smem:$0x3FBA];
	_ =	sdelay $0x3  }
0x37: {  	[smem:$0x3FBA] =	sst s10  }
0x38: {  	s10 =	sld [smem:$0x3FBB]  }
0x39: {  	_ = 	snop;
	(pc) =	sbr.ind lr, $3  }
0x3a: {  	_ = 	snop  }
0x3b: {  	_ = 	snop  }
0x3c: {  	p2 =	seq.s32 s10, $0x1;
	s10 =	sld [smem:$0x3FBA]  }
0x3d: {  	_ =	shalt  }
0x3e: {  	_ =	shalt  }
0x3f: {  	_ =	shalt  }
0x40: {  	_ =	shalt  }
0x41: {  	_ =	shalt  }
0x42: {  	_ =	shalt  }
0x43: {  	_ =	shalt  }
0x44: {  	_ =	shalt  }
0x45: {  	_ =	shalt  }
0x46: {  	_ =	shalt  }
0x47: {  	_ =	shalt  }
0x48: {  	_ =	shalt  }
0x49: {  	_ =	shalt  }
0x4a: {  	_ =	shalt  }
0x4b: {  	_ =	shalt  }
0x4c: {  	_ =	shalt  }
0x4d: {  	_ =	shalt  }
0x4e: {  	_ =	shalt  }
0x4f: {  	_ =	shalt  }
0x50: {  	_ =	shalt  }
0x51: {  	_ =	shalt  }
0x52: {  	_ =	shalt  }
0x53: {  	_ =	shalt  }
0x54: {  	_ =	shalt  }
0x55: {  	_ =	shalt  }
0x56: {  	_ =	shalt  }
0x57: {  	_ =	shalt  }
0x58: {  	_ =	shalt  }
0x59: {  	_ =	shalt  }
0x5a: {  	_ =	shalt  }
0x5b: {  	_ =	shalt  }
0x5c: {  	_ =	shalt  }
0x5d: {  	_ =	shalt  }
0x5e: {  	_ =	shalt  }
0x5f: {  	_ =	shalt  }
0x60: {  	_ =	shalt  }
0x61: {  	_ =	shalt  }
0x62: {  	_ =	shalt  }
0x63: {  	_ =	shalt  }
0x64: {  	_ =	shalt  }
0x65: {  	_ =	shalt  }
0x66: {  	_ =	shalt  }
0x67: {  	_ =	shalt  }
0x68: {  	_ =	shalt  }
0x69: {  	_ =	shalt  }
0x6a: {  	_ =	shalt  }
0x6b: {  	_ =	shalt  }
0x6c: {  	_ =	shalt  }
0x6d: {  	_ =	shalt  }
0x6e: {  	_ =	shalt  }
0x6f: {  	_ =	shalt  }
0x70: {  	_ =	shalt  }
0x71: {  	_ =	shalt  }
0x72: {  	_ =	shalt  }
0x73: {  	_ =	shalt  }
0x74: {  	_ =	shalt  }
0x75: {  	_ =	shalt  }
0x76: {  	_ =	shalt  }
0x77: {  	_ =	shalt  }
0x78: {  	_ =	shalt  }
0x79: {  	_ =	shalt  }
0x7a: {  	_ =	shalt  }
0x7b: {  	_ =	shalt  }
0x7c: {  	_ =	shalt  }
0x7d: {  	_ =	shalt  }
0x7e: {  	_ =	shalt  }
0x7f: {  	_ =	shalt  }
0x80: {  	_ =	shalt  }
0x81: {  	_ =	shalt  }
0x82: {  	_ =	shalt  }
0x83: {  	_ =	shalt  }
0x84: {  	_ =	shalt  }
0x85: {  	_ =	shalt  }
0x86: {  	_ =	shalt  }
0x87: {  	_ =	shalt  }
.Lfunc_end0:
.L_simem_size_0:
called_computation_lowered:
.L_overlay_start_0:
0x88: {  	s2 =	sld [smem:$0x3FD9]  }
0x89: {  	s3 =	sld [smem:$0x3FFE];
	_ =	sdelay $0x1  }
0x8a: {  	s1 =	srdreg.scid  }
0x8b: {  	s0 =	sand.u32 $0x1, s1  }
0x8c: {  	s17 =	sshll.u32 s0, $0xA;
	s2 =	sadd.s32 s3, s2  }
0x8d: {  	s2 =	sadd.s32 s2, s17  }
0x8e: {  	[smem:$0x3FC6] =	sst s2  }
0x8f: {  	_ = 	snop  }
0x90: {  	s2 =	sld [smem:$0x3FC9]  }
0x91: {  	s18 =	sld [smem:$0x3FC8];
	(tm) =	ssettm $0x1  }
0x92: {  	s4 =	sld [smem:$0x3FFB];
	_ =	sdelay $0x3  }
0x93: {  	_ =	strace s4  }
0x94: {  	s4 =	sld [smem:$0x3FFC];
	_ =	sdelay $0x3  }
0x95: {  	_ =	strace s4  }
0x96: {  	s4 =	sld [smem:$0x3FFD];
	_ =	sdelay $0x3  }
0x97: {  	_ =	strace s4  }
0x98: {  	_ =	strace $0x8FFFFFFF  }
0x99: {  	s19 =	sld [smem:$0x3FDB];
	_ =	sdelay $0x1  }
0x9a: {  	s5 =	simm.s32 $_scs_section_size  }
0x9b: {  	s6 =	simm.s32 $_size__tile_overlayer_lowered;
	s7 =	simm.s32 $_tile_overlayer_lowered  }
0x9c: {  	s22 =	simm.s32 $0x1BFF;
	s21 =	sshll.u32 s7, $0x1;
	s4 =	sadd.s32 s5, s19  }
0x9d: {  	s8 =	simm.s32 $0x0;
	s20 =	sshll.u32 s6, $0x1;
	s6 =	sadd.s32 s21, s4  }
0x9e: {  	[timem:s8], [sflag:s22] =	dma.local [hbm:s6], s20  }
0x9f: {  	_ =	swait.ge [sflag:s22], s20  }
0xa0: {  	s5 =	ssub.s32 $0x0, s20;
	[sflag:s22] =	ssyncset.done $0x0  }
0xa1: {  	[sflag:s22] =	ssyncadd.s32 s5;
	_ =	sdelay $0x1  }
0xa2: {  	s23 =	simm.s32 $0x1B8B  }
0xa3: {  	_ =	swait.ge [sflag:s23], $0x1  }
0xa4: {  	[sflag:s23] =	ssyncset.done $0x0  }
0xa5: {  	s25 =	simm.s32 $0x1B8E;
	s24 =	sld [smem:$0x3FFE];
	[sflag:s23] =	ssyncadd.s32 $0xFFFFFFFF  }
0xa6: {  	s26 =	simm.s32 $execute0_lowered;
	[smem:$0x3FD2] =	sst s25  }
0xa7: {  	s6 =	sshll.u32 s26, $0x1;
	_ =	strace $0x80000046;
	[dreg:$0x1] =	wrdreg $0xFFFFFFFF  }
0xa8: {  	s28 =	simm.s32 $_size_execute0_lowered;
	s4 =	sadd.s32 s4, s6;
	[dreg:$0x0] =	wrdreg $0x0  }
0xa9: {  	s6 =	sshll.u32 s28, $0x1;
	[dreg:$0x2] =	wrdreg s4  }
0xaa: {  	[dreg:$0x3] =	wrdreg s6  }
0xab: {  	[dreg:$0x4] =	wrdreg $0xC0  }
0xac: {  	_ =	task [dreg:s8], $0x5FFFF  }
0xad: {  	[dreg:$0x1] =	wrdreg $0xFFFFFFFF  }
0xae: {  	[dreg:$0x0] =	wrdreg $0x60  }
0xaf: {  	[dreg:$0x2] =	wrdreg s2  }
0xb0: {  	[dreg:$0x3] =	wrdreg s18  }
0xb1: {  	[dreg:$0x4] =	wrdreg s24  }
0xb2: {  	[dreg:$0x5] =	wrdreg $0x9  }
0xb3: {  	_ =	task.clear_ibuf [dreg:s8], $0x6FFFF;
	_ =	strace $0x90000046  }
0xb4: {  	s29 =	simm.s32 $0x9;
	_ =	strace $0x80000048  }
0xb5: {  	_ =	swait.ge [sflag:s29], $0x1  }
0xb6: {  	[sflag:s29] =	ssyncadd.s32 $0xFFFFFFFF  }
0xb7: {  	_ =	strace $0x90000048  }
0xb8: {  	_ =	sfence  }
0xb9: {  	s30 =	sld [smem:$0x0];
	_ =	sdelay $0x2  }
0xba: {  	s31 =	sshll.u32 s1, $0xD;
	s1 =	sshrl.u32 s1, $0x2  }
0xbb: {  	s3 =	sand.u32 $0x4000, s31;
	s1 =	sadd.s32 s1, s30  }
0xbc: {  	s0 =	sor.u32 s3, s0;
	s1 =	sshll.u32 s1, $0x11  }
0xbd: {  	s0 =	sor.u32 s1, s0  }
0xbe: {  	s0 =	sadd.s32 $0x8F2B, s0  }
0xbf: {  	[sflag:s0] =	ssyncadd.remote.s32 $0x1  }
0xc0: {  	_ =	sfence.sel $0xFFFF  }
0xc1: {  	[dreg:$0x0] =	wrdreg $0xFFFFFFFF;
	(pc) =	sbr.abs _section_cstart, $3  }
0xc2: {  	[dreg:$0x1] =	wrdreg $0xFFFFFFFF  }
0xc3: {  	_ =	task.clear_ibuf [dreg:s8], $0x2FFFF;
	_ =	strace $0x9FFFFFFF  }
0xc4: {  	(tm) =	ssettm $0x7FFFFFFF  }
0xc5: {  	_ =	shalt  }
tec
execute0_lowered:
.L_overlay_start_1:
0x0: {  	(tag) =	ssettag $0x1  }
0x1: {  	s2 =	srdreg.scid;
	s0 =	stileid.u32  }
0x2: {  	s1 =	rddreg [dreg:$0x0];
	s5 =	sand.u32 $0x1, s2;
	s29 =	sshll.u32 s0, $0x1  }
0x3: {  	s3 =	rddreg [dreg:$0x1];
	s2 =	sor.u32 s5, s29  }
0x4: {  	s10 =	rddreg [dreg:$0x2];
	s4 =	simm.s32 $0x0;
	s6 =	smul.u32 $0x96, s2  }
0x5: {  	s14 =	simm.s32 $0x2;
	s16 =	simm.s32 $0x3;
	s17 =	simm.s32 $0x0  }
0x6: {  	[smem:$0x7FF] =	sst s4;
	s7 =	ssub.s32 $0x2, s5;
	s5 =	sshrl.u32 s6, $0x5  }
0x7: {  	s2 =	rddreg [dreg:$0x3];
	s8 =	sshrl.u32 s7, $0x1;
	s9 =	smul.u32 $0x5000, s5  }
0x8: {  	_ =	strace $0x80000047;
	s11 =	ssub.s32 s7, s8;
	s31 =	smul.u32 $0x50, s5  }
0x9: {  	s6 =	sadd.s32 $0x96, s6;
	s11 =	smax.u32 s11, $0x1;
	s12 =	smul.u32 $0xA, s5  }
.Ltmp0:
0xa: {  	s6 =	sshrl.u32 s6, $0x5;
	s30 =	sshrl.u32 s9, $0x3;
	(pc) =	sbr.rel .LBB2_1-.Ltmp0, $4  }
0xb: {  	s15 =	ssub.s32 s6, s5;
	s13 =	sshrl.u32 s31, $0x3;
	s9 =	sadd.s32 $0x2AF800, s30  }
0xc: {  	p0 =	slt.s32 s15, $0x5;
	s15 =	simm.s32 $0x14000;
	s7 =	sadd.s32 s1, s9  }
0xd: {  	s8 =	sadd.s32 s3, s9;
	s9 =	sadd.s32 s10, s12;
	s10 =	sadd.s32 s10, s13  }
0xe: {  	vm0 =	vcmask $0x3F3C;
	s12 =	simm.s32 $0x5000;
	s13 =	simm.s32 $0x1;
	s10 =	sadd.s32 $0x28, s10  }
.LBB2_11:
0xf: {  	[hbm4b:s9+s4] =	stream.linear.scatter [tilespmem:s15], [sflag:$0x3], $0x140, $0x38;
	[tilespmem:$0x14200] =	vst v63  }
0x10: {  	_ =	swait.ge [sflag:s16], $0x140  }
0x11: {  	s18 =	simm.s32 @!p0 $0x0;
	s17 =	sadd.s32 $0x1, s17;
	[sflag:s16] =	ssyncset.done $0x0  }
0x12: {  	s19 =	simm.s32 @!p0 $0x14140;
	p1 =	sne.s32 s17, s11;
	[sflag:s16] =	ssyncadd.s32 $0xFFFFFEC0  }
0x13: {  	[hbm4b:s10+s18] =	stream.linear.scatter @!p0 [tilespmem:s19], [sflag:$0x3], $0x50, $0x38;
	[tilespmem:$0x14200] =	vst v63  }
.Ltmp1:
0x14: {  	_ = 	snop;
	(pc) =	sbr.rel @!p1 .LBB2_12-.Ltmp1, $4  }
0x15: {  	s18 =	simm.s32 @!p0 $0x3  }
0x16: {  	_ =	swait.ge @!p0 [sflag:s18], $0x50  }
0x17: {  	[sflag:s18] =	ssyncset.done @!p0 $0x0  }
0x18: {  	[sflag:s18] =	ssyncadd.s32 @!p0 $0xFFFFFFB0  }
.LBB2_1:
.Ltmp2:
0x19: {  	(pc) =	sbr.rel .LBB2_2-.Ltmp2, $4  }
0x1a: {  	_ = 	snop  }
0x1b: {  	[tilespmem:s4], [sflag:$0x1] =	stream.linear.gather [hbm4b:s7+s4], $0x5000, $0x38;
	[tilespmem:$0x14200] =	vst v63  }
0x1c: {  	s18 =	simm.s32 $0x14050;
	s19 =	simm.s32 $0x14000;
	s20 =	simm.s32 $0x0  }
0x1d: {  	[tilespmem:s12], [sflag:$0x1] =	stream.linear.gather [hbm4b:s8+s4], $0x5000, $0x38;
	[tilespmem:$0x14200] =	vst v63  }
.LBB2_10:
0x1e: {  	s20 =	sadd.s32 $0x1, s20  }
0x1f: {  	p1 =	sne.s32 s20, $0x3  }
.Ltmp3:
0x20: {  	_ = 	snop;
	(pc) =	sbr.rel @!p1 .LBB2_11-.Ltmp3, $2  }
0x21: {  	_ =	sdelay $0x2  }
0x22: {  	s19 =	sadd.s32 $0xA0, s19;
	s18 =	sadd.s32 $0xA0, s18  }
.LBB2_2:
0x23: {  	s21 =	sshll.u32 s20, $0x1  }
0x24: {  	s22 =	sadd.s32 s5, s21  }
0x25: {  	p1 =	sge.u32 s22, s6  }
.Ltmp4:
0x26: {  	_ = 	snop;
	(pc) =	sbr.rel @p1 .LBB2_6-.Ltmp4, $1  }
0x27: {  	_ =	sdelay $0x3  }
0x28: {  	s23 =	sadd.s32 $0x1, s22  }
0x29: {  	p1 =	sge.u32 s23, s6  }
0x2a: {  	s22 =	smul.u32 @!p1 $0x5000, s22;
	_ =	sdelay $0x1  }
0x2b: {  	s22 =	sshrl.u32 @!p1 s22, $0x3  }
0x2c: {  	s22 =	sadd.s32 @!p1 $0x2B0200, s22  }
0x2d: {  	s24 =	simm.s32 @!p1 $0x0;
	s25 =	simm.s32 @!p1 $0xA000;
	s23 =	sadd.s32 @!p1 s1, s22  }
0x2e: {  	[tilespmem:s25], [sflag:$0x2] =	stream.linear.gather @!p1 [hbm4b:s23+s24], $0x5000, $0x38;
	[tilespmem:$0x14200] =	vst v63  }
0x2f: {  	s22 =	sadd.s32 @!p1 s3, s22;
	s23 =	simm.s32 @!p1 $0xF000  }
0x30: {  	[tilespmem:s23], [sflag:$0x2] =	stream.linear.gather @!p1 [hbm4b:s22+s24], $0x5000, $0x38;
	[tilespmem:$0x14200] =	vst v63  }
0x31: {  	_ =	swait.ge [sflag:s13], $0x5000  }
0x32: {  	[sflag:s13] =	ssyncset.done $0x0  }
0x33: {  	[sflag:s13] =	ssyncadd.s32 $0xFFFFB000  }
0x34: {  	s28 =	simm.s32 $0x0;
	_ =	swait.ge [sflag:s13], $0x5000  }
0x35: {  	s29 =	sand.u32 $0x7800, s28;
	s22 =	sand.u32 $0x380, s28;
	[sflag:s13] =	ssyncset.done $0x0  }
0x36: {  	s22 =	sor.u32 s22, s29;
	[sflag:s13] =	ssyncadd.s32 $0xFFFFB000  }
0x37: {  	v0 =	vld [tilespmem:s22+$0x5000]  }
0x38: {  	v1 =	vld [tilespmem:s22+$0x0]  }
0x39: {  	v2 =	vld [tilespmem:s22+$0x10]  }
0x3a: {  	v3 =	vld [tilespmem:s22+$0x5010]  }
0x3b: {  	v4 =	vld [tilespmem:s22+$0x20]  }
0x3c: {  	v5 =	vld [tilespmem:s22+$0x5020]  }
0x3d: {  	v6 =	vld [tilespmem:s22+$0x30]  }
0x3e: {  	v7 =	vld [tilespmem:s22+$0x5030]  }
0x3f: {  	v8 =	vld [tilespmem:s22+$0x40]  }
0x40: {  	v9 =	vld [tilespmem:s22+$0x5040]  }
0x41: {  	v10 =	vld [tilespmem:s22+$0x50]  }
0x42: {  	v11 =	vld [tilespmem:s22+$0x5050]  }
0x43: {  	v12 =	vld [tilespmem:s22+$0x60]  }
0x44: {  	v13 =	vld [tilespmem:s22+$0x5060]  }
0x45: {  	v14 =	vld [tilespmem:s22+$0x70]  }
0x46: {  	v15 =	vld [tilespmem:s22+$0x5070]  }
0x47: {  	v16 =	vld [tilespmem:s22+$0x400]  }
0x48: {  	v17 =	vld [tilespmem:s22+$0x5400]  }
0x49: {  	v18 =	vld [tilespmem:s22+$0x410]  }
0x4a: {  	v19 =	vld [tilespmem:s22+$0x5410]  }
0x4b: {  	v20 =	vld [tilespmem:s22+$0x420]  }
0x4c: {  	v21 =	vld [tilespmem:s22+$0x5420]  }
0x4d: {  	v22 =	vld [tilespmem:s22+$0x430]  }
0x4e: {  	v23 =	vld [tilespmem:s22+$0x5430]  }
0x4f: {  	v24 =	vld [tilespmem:s22+$0x440]  }
0x50: {  	v25 =	vld [tilespmem:s22+$0x5440]  }
0x51: {  	v26 =	vld [tilespmem:s22+$0x450]  }
0x52: {  	v27 =	vld [tilespmem:s22+$0x5450]  }
0x53: {  	v28 =	vld [tilespmem:s22+$0x460];
	v0 =	vmul.f32 v0, v1  }
0x54: {  	v1 =	vmul.f32 v3, v2;
	v2 =	vld [tilespmem:s22+$0x5460];
	v3 =	vmul.f32 v5, v4  }
0x55: {  	v4 =	vmul.f32 v7, v6;
	v5 =	vld [tilespmem:s22+$0x470];
	v6 =	vmul.f32 v9, v8  }
0x56: {  	v7 =	vmul.f32 v11, v10;
	v8 =	vld [tilespmem:s22+$0x5470];
	v9 =	vmul.f32 v13, v12  }
0x57: {  	v10 =	vmul.f32 v15, v14;
	v11 =	vmul.f32 v17, v16  }
0x58: {  	v12 =	vmul.f32 v19, v18;
	v13 =	vmul.f32 v23, v22  }
0x59: {  	v14 =	vmul.f32 v27, v26;
	v0 =	vadd.f32 v1, v0;
	v1 =	vmul.f32 v21, v20  }
0x5a: {  	v3 =	vadd.f32 v4, v3;
	v4 =	vmul.f32 v25, v24;
	v6 =	vadd.f32 v7, v6  }
0x5b: {  	v7 =	vadd.f32 v10, v9;
	v2 =	vmul.f32 v2, v28;
	v5 =	vmul.f32 v8, v5  }
0x5c: {  	v1 =	vadd.f32 v13, v1;
	v4 =	vadd.f32 v14, v4  }
0x5d: {  	v8 =	vadd.f32 v12, v11;
	v2 =	vadd.f32 v5, v2  }
0x5e: {  	v0 =	vadd.f32 v3, v0;
	v3 =	vadd.f32 v7, v6  }
0x5f: {  	v1 =	vadd.f32 v1, v8;
	v2 =	vadd.f32 v2, v4;
	_ =	sdelay $0x1  }
0x60: {  	v0 =	vadd.f32 v3, v0;
	v1 =	vadd.f32 v2, v1;
	_ =	sdelay $0x1  }
0x61: {  	v0 =	vadd.f32 v1, v0;
	_ =	sdelay $0x1  }
0x62: {  	(xrf2) =	vadd.scan.msk.f32 $0xffff, v0;
	_ =	sdelay $0x8  }
0x63: {  	s30 =	simm.s32 $0x100;
	s22 =	simm.s32 $0x80  }
0x64: {  	s23 =	sand.u32 $0x7800, s30;
	s31 =	sand.u32 $0x380, s22;
	v0, _, _ =	vpop (xrf2)  }
0x65: {  	s25 =	sor.u32 s31, s23;
	[tilespmem:s19+$0x0] =	vst.msk vm0, v0  }
0x66: {  	v25 =	vld [tilespmem:s25+$0x5000]  }
0x67: {  	v26 =	vld [tilespmem:s25+$0x0]  }
0x68: {  	v27 =	vld [tilespmem:s25+$0x10]  }
0x69: {  	v28 =	vld [tilespmem:s25+$0x5010]  }
0x6a: {  	v0 =	vld [tilespmem:s25+$0x20]  }
0x6b: {  	v1 =	vld [tilespmem:s25+$0x5020]  }
0x6c: {  	v2 =	vld [tilespmem:s25+$0x30]  }
0x6d: {  	v4 =	vld [tilespmem:s25+$0x5030]  }
0x6e: {  	v3 =	vld [tilespmem:s25+$0x40]  }
0x6f: {  	v5 =	vld [tilespmem:s25+$0x5040]  }
0x70: {  	v6 =	vld [tilespmem:s25+$0x50]  }
0x71: {  	v8 =	vld [tilespmem:s25+$0x5050]  }
0x72: {  	v7 =	vld [tilespmem:s25+$0x60]  }
0x73: {  	v9 =	vld [tilespmem:s25+$0x5060]  }
0x74: {  	v10 =	vld [tilespmem:s25+$0x70]  }
0x75: {  	v11 =	vld [tilespmem:s25+$0x5070]  }
0x76: {  	v12 =	vld [tilespmem:s25+$0x400]  }
0x77: {  	v13 =	vld [tilespmem:s25+$0x5400]  }
0x78: {  	v14 =	vld [tilespmem:s25+$0x410]  }
0x79: {  	v16 =	vld [tilespmem:s25+$0x5410]  }
0x7a: {  	v15 =	vld [tilespmem:s25+$0x420]  }
0x7b: {  	v17 =	vld [tilespmem:s25+$0x5420]  }
0x7c: {  	v18 =	vld [tilespmem:s25+$0x430]  }
0x7d: {  	v20 =	vld [tilespmem:s25+$0x5430]  }
0x7e: {  	v19 =	vld [tilespmem:s25+$0x440]  }
0x7f: {  	v21 =	vld [tilespmem:s25+$0x5440]  }
0x80: {  	v22 =	vld [tilespmem:s25+$0x450]  }
0x81: {  	v24 =	vld [tilespmem:s25+$0x5450]  }
0x82: {  	v23 =	vld [tilespmem:s25+$0x460]  }
0x83: {  	s24 =	simm.s32 $0x200;
	s23 =	smov.u32 s19;
	v26 =	vmul.f32 v25, v26;
	v27 =	vmul.f32 v28, v27;
	v25 =	vld [tilespmem:s25+$0x5460]  }
.LBB2_4:
0x84: {  	p1 =	sne.s32 s24, $0x4F00;
	v0 =	vmul.f32 v1, v0;
	v1 =	vmul.f32 v4, v2;
	v2 =	vld [tilespmem:s25+$0x470]  }
0x85: {  	v3 =	vmul.f32 v5, v3;
	v4 =	vmul.f32 v8, v6;
	v5 =	vld [tilespmem:s25+$0x5470]  }
0x86: {  	v6 =	vmul.f32 v9, v7;
	v7 =	vmul.f32 v11, v10  }
0x87: {  	v8 =	vmul.f32 v13, v12;
	v9 =	vmul.f32 v16, v14;
	v10 =	vadd.f32 v27, v26  }
0x88: {  	v11 =	vmul.f32 v17, v15;
	v12 =	vmul.f32 v20, v18;
	v0 =	vadd.f32 v1, v0  }
0x89: {  	v1 =	vmul.f32 v21, v19;
	v13 =	vmul.f32 v24, v22;
	v3 =	vadd.f32 v4, v3  }
0x8a: {  	v4 =	vmul.f32 v25, v23;
	v2 =	vmul.f32 v5, v2;
	v5 =	vadd.f32 v7, v6  }
0x8b: {  	v6 =	vadd.f32 v9, v8;
	v7 =	vadd.f32 v12, v11  }
0x8c: {  	v1 =	vadd.f32 v13, v1;
	v2 =	vadd.f32 v2, v4  }
0x8d: {  	v0 =	vadd.f32 v0, v10;
	v3 =	vadd.f32 v5, v3  }
0x8e: {  	v4 =	vadd.f32 v7, v6;
	v1 =	vadd.f32 v2, v1;
	_ =	sdelay $0x1  }
0x8f: {  	v0 =	vadd.f32 v3, v0;
	v1 =	vadd.f32 v1, v4;
	_ =	sdelay $0x1  }
0x90: {  	v0 =	vadd.f32 v1, v0;
	_ =	sdelay $0x1  }
0x91: {  	(xrf2) =	vadd.scan.msk.f32 $0xffff, v0;
	_ =	sdelay $0x8  }
0x92: {  	s22 =	sadd.s32 $0x80, s22  }
0x93: {  	s23 =	sadd.s32 $0x1, s23;
	s25 =	sand.u32 $0x7800, s24;
	s26 =	sand.u32 $0x380, s22;
	v0, _, _ =	vpop (xrf2)  }
0x94: {  	s25 =	sor.u32 s26, s25;
	[tilespmem:s23+$0x0] =	vst.msk vm0, v0  }
0x95: {  	v25 =	vld [tilespmem:s25+$0x5000]  }
0x96: {  	v26 =	vld [tilespmem:s25+$0x0]  }
0x97: {  	v27 =	vld [tilespmem:s25+$0x10]  }
0x98: {  	v28 =	vld [tilespmem:s25+$0x5010]  }
0x99: {  	v0 =	vld [tilespmem:s25+$0x20]  }
0x9a: {  	v1 =	vld [tilespmem:s25+$0x5020]  }
0x9b: {  	v2 =	vld [tilespmem:s25+$0x30]  }
0x9c: {  	v4 =	vld [tilespmem:s25+$0x5030]  }
0x9d: {  	v3 =	vld [tilespmem:s25+$0x40]  }
0x9e: {  	v5 =	vld [tilespmem:s25+$0x5040]  }
0x9f: {  	v6 =	vld [tilespmem:s25+$0x50]  }
0xa0: {  	v8 =	vld [tilespmem:s25+$0x5050]  }
0xa1: {  	v7 =	vld [tilespmem:s25+$0x60]  }
0xa2: {  	v9 =	vld [tilespmem:s25+$0x5060]  }
0xa3: {  	v10 =	vld [tilespmem:s25+$0x70]  }
0xa4: {  	v11 =	vld [tilespmem:s25+$0x5070]  }
0xa5: {  	v12 =	vld [tilespmem:s25+$0x400]  }
0xa6: {  	v13 =	vld [tilespmem:s25+$0x5400]  }
0xa7: {  	v14 =	vld [tilespmem:s25+$0x410]  }
0xa8: {  	v16 =	vld [tilespmem:s25+$0x5410]  }
0xa9: {  	v15 =	vld [tilespmem:s25+$0x420]  }
0xaa: {  	v17 =	vld [tilespmem:s25+$0x5420]  }
0xab: {  	v18 =	vld [tilespmem:s25+$0x430]  }
0xac: {  	v20 =	vld [tilespmem:s25+$0x5430]  }
0xad: {  	v19 =	vld [tilespmem:s25+$0x440]  }
.Ltmp5:
0xae: {  	v21 =	vld [tilespmem:s25+$0x5440];
	(pc) =	sbr.rel @p1 .LBB2_4-.Ltmp5, $4  }
0xaf: {  	v22 =	vld [tilespmem:s25+$0x450]  }
0xb0: {  	v24 =	vld [tilespmem:s25+$0x5450]  }
0xb1: {  	v23 =	vld [tilespmem:s25+$0x460]  }
0xb2: {  	s24 =	sadd.s32 $0x100, s24;
	v26 =	vmul.f32 v25, v26;
	v27 =	vmul.f32 v28, v27;
	v25 =	vld [tilespmem:s25+$0x5460]  }
0xb3: {  	v0 =	vmul.f32 v1, v0  }
0xb4: {  	v46 =	vmul.f32 v4, v2;
	v47 =	vld [tilespmem:s25+$0x470];
	v3 =	vmul.f32 v5, v3  }
0xb5: {  	v48 =	vmul.f32 v8, v6;
	v49 =	vld [tilespmem:s25+$0x5470];
	v50 =	vmul.f32 v9, v7  }
0xb6: {  	v51 =	vmul.f32 v11, v10;
	v52 =	vmul.f32 v13, v12  }
0xb7: {  	v53 =	vmul.f32 v16, v14;
	v55 =	vmul.f32 v17, v15  }
0xb8: {  	v56 =	vmul.f32 v20, v18;
	v57 =	vmul.f32 v21, v19;
	v54 =	vadd.f32 v27, v26  }
0xb9: {  	v0 =	vadd.f32 v46, v0;
	v58 =	vmul.f32 v24, v22;
	v3 =	vadd.f32 v48, v3  }
0xba: {  	v60 =	vadd.f32 v51, v50;
	v59 =	vmul.f32 v25, v23;
	v2 =	vmul.f32 v49, v47  }
0xbb: {  	v61 =	vadd.f32 v53, v52;
	v62 =	vadd.f32 v56, v55  }
0xbc: {  	v1 =	vadd.f32 v58, v57;
	v2 =	vadd.f32 v2, v59  }
0xbd: {  	v0 =	vadd.f32 v0, v54;
	v3 =	vadd.f32 v60, v3  }
0xbe: {  	v63 =	vadd.f32 v62, v61;
	v1 =	vadd.f32 v2, v1;
	_ =	sdelay $0x1  }
0xbf: {  	v0 =	vadd.f32 v3, v0;
	v1 =	vadd.f32 v1, v63;
	_ =	sdelay $0x1  }
0xc0: {  	v0 =	vadd.f32 v1, v0;
	_ =	sdelay $0x1  }
0xc1: {  	(xrf2) =	vadd.scan.msk.f32 $0xffff, v0;
	_ =	sdelay $0x9  }
0xc2: {  	s22 =	sadd.s32 $0x1, s23;
	v0, _, _ =	vpop (xrf2)  }
0xc3: {  	[tilespmem:s22+$0x0] =	vst.msk vm0, v0  }
.LBB2_6:
0xc4: {  	s21 =	sadd.s32 s21, s5  }
0xc5: {  	s21 =	sadd.s32 $0x1, s21  }
0xc6: {  	p1 =	sge.u32 s21, s6  }
.Ltmp6:
0xc7: {  	_ = 	snop;
	(pc) =	sbr.rel @p1 .LBB2_10-.Ltmp6, $1  }
0xc8: {  	_ =	sdelay $0x3  }
0xc9: {  	s22 =	sadd.s32 $0x1, s21  }
0xca: {  	p1 =	sge.u32 s22, s6  }
0xcb: {  	s21 =	smul.u32 @!p1 $0x5000, s21;
	_ =	sdelay $0x1  }
0xcc: {  	s21 =	sshrl.u32 @!p1 s21, $0x3  }
0xcd: {  	s21 =	sadd.s32 @!p1 $0x2B0200, s21  }
0xce: {  	s23 =	simm.s32 @!p1 $0x0;
	s22 =	sadd.s32 @!p1 s1, s21  }
0xcf: {  	[tilespmem:s23], [sflag:$0x1] =	stream.linear.gather @!p1 [hbm4b:s22+s23], $0x5000, $0x38;
	[tilespmem:$0x14200] =	vst v63  }
0xd0: {  	s21 =	sadd.s32 @!p1 s3, s21;
	s22 =	simm.s32 @!p1 $0x5000  }
0xd1: {  	[tilespmem:s22], [sflag:$0x1] =	stream.linear.gather @!p1 [hbm4b:s21+s23], $0x5000, $0x38;
	[tilespmem:$0x14200] =	vst v63  }
0xd2: {  	_ =	swait.ge [sflag:s14], $0x5000  }
0xd3: {  	[sflag:s14] =	ssyncset.done $0x0  }
0xd4: {  	[sflag:s14] =	ssyncadd.s32 $0xFFFFB000  }
0xd5: {  	s28 =	simm.s32 $0x0;
	_ =	swait.ge [sflag:s14], $0x5000  }
0xd6: {  	s29 =	sand.u32 $0x7800, s28;
	s21 =	sand.u32 $0x380, s28;
	[sflag:s14] =	ssyncset.done $0x0  }
0xd7: {  	s21 =	sor.u32 s21, s29;
	[sflag:s14] =	ssyncadd.s32 $0xFFFFB000  }
0xd8: {  	v0 =	vld [tilespmem:s21+$0xF000]  }
0xd9: {  	v1 =	vld [tilespmem:s21+$0xA000]  }
0xda: {  	v2 =	vld [tilespmem:s21+$0xA010]  }
0xdb: {  	v3 =	vld [tilespmem:s21+$0xF010]  }
0xdc: {  	v4 =	vld [tilespmem:s21+$0xA020]  }
0xdd: {  	v5 =	vld [tilespmem:s21+$0xF020]  }
0xde: {  	v6 =	vld [tilespmem:s21+$0xA030]  }
0xdf: {  	v7 =	vld [tilespmem:s21+$0xF030]  }
0xe0: {  	v8 =	vld [tilespmem:s21+$0xA040]  }
0xe1: {  	v9 =	vld [tilespmem:s21+$0xF040]  }
0xe2: {  	v10 =	vld [tilespmem:s21+$0xA050]  }
0xe3: {  	v11 =	vld [tilespmem:s21+$0xF050]  }
0xe4: {  	v12 =	vld [tilespmem:s21+$0xA060]  }
0xe5: {  	v13 =	vld [tilespmem:s21+$0xF060]  }
0xe6: {  	v14 =	vld [tilespmem:s21+$0xA070]  }
0xe7: {  	v15 =	vld [tilespmem:s21+$0xF070]  }
0xe8: {  	v16 =	vld [tilespmem:s21+$0xA400]  }
0xe9: {  	v17 =	vld [tilespmem:s21+$0xF400]  }
0xea: {  	v18 =	vld [tilespmem:s21+$0xA410]  }
0xeb: {  	v19 =	vld [tilespmem:s21+$0xF410]  }
0xec: {  	v20 =	vld [tilespmem:s21+$0xA420]  }
0xed: {  	v21 =	vld [tilespmem:s21+$0xF420]  }
0xee: {  	v22 =	vld [tilespmem:s21+$0xA430]  }
0xef: {  	v23 =	vld [tilespmem:s21+$0xF430]  }
0xf0: {  	v24 =	vld [tilespmem:s21+$0xA440]  }
0xf1: {  	v25 =	vld [tilespmem:s21+$0xF440]  }
0xf2: {  	v26 =	vld [tilespmem:s21+$0xA450]  }
0xf3: {  	v27 =	vld [tilespmem:s21+$0xF450]  }
0xf4: {  	v28 =	vld [tilespmem:s21+$0xA460];
	v0 =	vmul.f32 v0, v1  }
0xf5: {  	v1 =	vmul.f32 v3, v2;
	v2 =	vld [tilespmem:s21+$0xF460];
	v3 =	vmul.f32 v5, v4  }
0xf6: {  	v4 =	vmul.f32 v7, v6;
	v5 =	vld [tilespmem:s21+$0xA470];
	v6 =	vmul.f32 v9, v8  }
0xf7: {  	v7 =	vmul.f32 v11, v10;
	v8 =	vld [tilespmem:s21+$0xF470];
	v9 =	vmul.f32 v13, v12  }
0xf8: {  	v10 =	vmul.f32 v15, v14;
	v11 =	vmul.f32 v17, v16  }
0xf9: {  	v12 =	vmul.f32 v19, v18;
	v13 =	vmul.f32 v23, v22  }
0xfa: {  	v14 =	vmul.f32 v27, v26;
	v0 =	vadd.f32 v1, v0;
	v1 =	vmul.f32 v21, v20  }
0xfb: {  	v3 =	vadd.f32 v4, v3;
	v4 =	vmul.f32 v25, v24;
	v6 =	vadd.f32 v7, v6  }
0xfc: {  	v7 =	vadd.f32 v10, v9;
	v2 =	vmul.f32 v2, v28;
	v5 =	vmul.f32 v8, v5  }
0xfd: {  	v1 =	vadd.f32 v13, v1;
	v4 =	vadd.f32 v14, v4  }
0xfe: {  	v8 =	vadd.f32 v12, v11;
	v2 =	vadd.f32 v5, v2  }
0xff: {  	v0 =	vadd.f32 v3, v0;
	v3 =	vadd.f32 v7, v6  }
0x100: {  	v1 =	vadd.f32 v1, v8;
	v2 =	vadd.f32 v2, v4;
	_ =	sdelay $0x1  }
0x101: {  	v0 =	vadd.f32 v3, v0;
	v1 =	vadd.f32 v2, v1;
	_ =	sdelay $0x1  }
0x102: {  	v0 =	vadd.f32 v1, v0;
	_ =	sdelay $0x1  }
0x103: {  	(xrf2) =	vadd.scan.msk.f32 $0xffff, v0;
	_ =	sdelay $0x8  }
0x104: {  	s30 =	simm.s32 $0x100;
	s21 =	simm.s32 $0x80  }
0x105: {  	s22 =	sand.u32 $0x7800, s30;
	s31 =	sand.u32 $0x380, s21;
	v0, _, _ =	vpop (xrf2)  }
0x106: {  	s24 =	sor.u32 s31, s22;
	[tilespmem:s18+$0x0] =	vst.msk vm0, v0  }
0x107: {  	v25 =	vld [tilespmem:s24+$0xF000]  }
0x108: {  	v26 =	vld [tilespmem:s24+$0xA000]  }
0x109: {  	v27 =	vld [tilespmem:s24+$0xA010]  }
0x10a: {  	v28 =	vld [tilespmem:s24+$0xF010]  }
0x10b: {  	v0 =	vld [tilespmem:s24+$0xA020]  }
0x10c: {  	v1 =	vld [tilespmem:s24+$0xF020]  }
0x10d: {  	v2 =	vld [tilespmem:s24+$0xA030]  }
0x10e: {  	v4 =	vld [tilespmem:s24+$0xF030]  }
0x10f: {  	v3 =	vld [tilespmem:s24+$0xA040]  }
0x110: {  	v5 =	vld [tilespmem:s24+$0xF040]  }
0x111: {  	v6 =	vld [tilespmem:s24+$0xA050]  }
0x112: {  	v8 =	vld [tilespmem:s24+$0xF050]  }
0x113: {  	v7 =	vld [tilespmem:s24+$0xA060]  }
0x114: {  	v9 =	vld [tilespmem:s24+$0xF060]  }
0x115: {  	v10 =	vld [tilespmem:s24+$0xA070]  }
0x116: {  	v11 =	vld [tilespmem:s24+$0xF070]  }
0x117: {  	v12 =	vld [tilespmem:s24+$0xA400]  }
0x118: {  	v13 =	vld [tilespmem:s24+$0xF400]  }
0x119: {  	v14 =	vld [tilespmem:s24+$0xA410]  }
0x11a: {  	v16 =	vld [tilespmem:s24+$0xF410]  }
0x11b: {  	v15 =	vld [tilespmem:s24+$0xA420]  }
0x11c: {  	v17 =	vld [tilespmem:s24+$0xF420]  }
0x11d: {  	v18 =	vld [tilespmem:s24+$0xA430]  }
0x11e: {  	v20 =	vld [tilespmem:s24+$0xF430]  }
0x11f: {  	v19 =	vld [tilespmem:s24+$0xA440]  }
0x120: {  	v21 =	vld [tilespmem:s24+$0xF440]  }
0x121: {  	v22 =	vld [tilespmem:s24+$0xA450]  }
0x122: {  	v24 =	vld [tilespmem:s24+$0xF450]  }
0x123: {  	v23 =	vld [tilespmem:s24+$0xA460]  }
0x124: {  	s23 =	simm.s32 $0x200;
	s22 =	smov.u32 s18;
	v26 =	vmul.f32 v25, v26;
	v27 =	vmul.f32 v28, v27;
	v25 =	vld [tilespmem:s24+$0xF460]  }
.LBB2_8:
0x125: {  	p1 =	sne.s32 s23, $0x4F00;
	v0 =	vmul.f32 v1, v0;
	v1 =	vmul.f32 v4, v2;
	v2 =	vld [tilespmem:s24+$0xA470]  }
0x126: {  	v3 =	vmul.f32 v5, v3;
	v4 =	vmul.f32 v8, v6;
	v5 =	vld [tilespmem:s24+$0xF470]  }
0x127: {  	v6 =	vmul.f32 v9, v7;
	v7 =	vmul.f32 v11, v10  }
0x128: {  	v8 =	vmul.f32 v13, v12;
	v9 =	vmul.f32 v16, v14;
	v10 =	vadd.f32 v27, v26  }
0x129: {  	v11 =	vmul.f32 v17, v15;
	v12 =	vmul.f32 v20, v18;
	v0 =	vadd.f32 v1, v0  }
0x12a: {  	v1 =	vmul.f32 v21, v19;
	v13 =	vmul.f32 v24, v22;
	v3 =	vadd.f32 v4, v3  }
0x12b: {  	v4 =	vmul.f32 v25, v23;
	v2 =	vmul.f32 v5, v2;
	v5 =	vadd.f32 v7, v6  }
0x12c: {  	v6 =	vadd.f32 v9, v8;
	v7 =	vadd.f32 v12, v11  }
0x12d: {  	v1 =	vadd.f32 v13, v1;
	v2 =	vadd.f32 v2, v4  }
0x12e: {  	v0 =	vadd.f32 v0, v10;
	v3 =	vadd.f32 v5, v3  }
0x12f: {  	v4 =	vadd.f32 v7, v6;
	v1 =	vadd.f32 v2, v1;
	_ =	sdelay $0x1  }
0x130: {  	v0 =	vadd.f32 v3, v0;
	v1 =	vadd.f32 v1, v4;
	_ =	sdelay $0x1  }
0x131: {  	v0 =	vadd.f32 v1, v0;
	_ =	sdelay $0x1  }
0x132: {  	(xrf2) =	vadd.scan.msk.f32 $0xffff, v0;
	_ =	sdelay $0x8  }
0x133: {  	s21 =	sadd.s32 $0x80, s21  }
0x134: {  	s22 =	sadd.s32 $0x1, s22;
	s24 =	sand.u32 $0x7800, s23;
	s25 =	sand.u32 $0x380, s21;
	v0, _, _ =	vpop (xrf2)  }
0x135: {  	s24 =	sor.u32 s25, s24;
	[tilespmem:s22+$0x0] =	vst.msk vm0, v0  }
0x136: {  	v25 =	vld [tilespmem:s24+$0xF000]  }
0x137: {  	v26 =	vld [tilespmem:s24+$0xA000]  }
0x138: {  	v27 =	vld [tilespmem:s24+$0xA010]  }
0x139: {  	v28 =	vld [tilespmem:s24+$0xF010]  }
0x13a: {  	v0 =	vld [tilespmem:s24+$0xA020]  }
0x13b: {  	v1 =	vld [tilespmem:s24+$0xF020]  }
0x13c: {  	v2 =	vld [tilespmem:s24+$0xA030]  }
0x13d: {  	v4 =	vld [tilespmem:s24+$0xF030]  }
0x13e: {  	v3 =	vld [tilespmem:s24+$0xA040]  }
0x13f: {  	v5 =	vld [tilespmem:s24+$0xF040]  }
0x140: {  	v6 =	vld [tilespmem:s24+$0xA050]  }
0x141: {  	v8 =	vld [tilespmem:s24+$0xF050]  }
0x142: {  	v7 =	vld [tilespmem:s24+$0xA060]  }
0x143: {  	v9 =	vld [tilespmem:s24+$0xF060]  }
0x144: {  	v10 =	vld [tilespmem:s24+$0xA070]  }
0x145: {  	v11 =	vld [tilespmem:s24+$0xF070]  }
0x146: {  	v12 =	vld [tilespmem:s24+$0xA400]  }
0x147: {  	v13 =	vld [tilespmem:s24+$0xF400]  }
0x148: {  	v14 =	vld [tilespmem:s24+$0xA410]  }
0x149: {  	v16 =	vld [tilespmem:s24+$0xF410]  }
0x14a: {  	v15 =	vld [tilespmem:s24+$0xA420]  }
0x14b: {  	v17 =	vld [tilespmem:s24+$0xF420]  }
0x14c: {  	v18 =	vld [tilespmem:s24+$0xA430]  }
0x14d: {  	v20 =	vld [tilespmem:s24+$0xF430]  }
0x14e: {  	v19 =	vld [tilespmem:s24+$0xA440]  }
.Ltmp7:
0x14f: {  	v21 =	vld [tilespmem:s24+$0xF440];
	(pc) =	sbr.rel @p1 .LBB2_8-.Ltmp7, $4  }
0x150: {  	v22 =	vld [tilespmem:s24+$0xA450]  }
0x151: {  	v24 =	vld [tilespmem:s24+$0xF450]  }
0x152: {  	v23 =	vld [tilespmem:s24+$0xA460]  }
0x153: {  	s23 =	sadd.s32 $0x100, s23;
	v26 =	vmul.f32 v25, v26;
	v27 =	vmul.f32 v28, v27;
	v25 =	vld [tilespmem:s24+$0xF460]  }
0x154: {  	v0 =	vmul.f32 v1, v0  }
0x155: {  	v46 =	vmul.f32 v4, v2;
	v47 =	vld [tilespmem:s24+$0xA470];
	v3 =	vmul.f32 v5, v3  }
0x156: {  	v48 =	vmul.f32 v8, v6;
	v49 =	vld [tilespmem:s24+$0xF470];
	v50 =	vmul.f32 v9, v7  }
0x157: {  	v51 =	vmul.f32 v11, v10;
	v52 =	vmul.f32 v13, v12  }
0x158: {  	v53 =	vmul.f32 v16, v14;
	v55 =	vmul.f32 v17, v15  }
0x159: {  	v56 =	vmul.f32 v20, v18;
	v57 =	vmul.f32 v21, v19;
	v54 =	vadd.f32 v27, v26  }
0x15a: {  	v0 =	vadd.f32 v46, v0;
	v58 =	vmul.f32 v24, v22;
	v3 =	vadd.f32 v48, v3  }
0x15b: {  	v60 =	vadd.f32 v51, v50;
	v59 =	vmul.f32 v25, v23;
	v2 =	vmul.f32 v49, v47  }
0x15c: {  	v61 =	vadd.f32 v53, v52;
	v62 =	vadd.f32 v56, v55  }
0x15d: {  	v1 =	vadd.f32 v58, v57;
	v2 =	vadd.f32 v2, v59  }
0x15e: {  	v0 =	vadd.f32 v0, v54;
	v3 =	vadd.f32 v60, v3  }
0x15f: {  	v63 =	vadd.f32 v62, v61;
	v1 =	vadd.f32 v2, v1;
	_ =	sdelay $0x1  }
0x160: {  	v0 =	vadd.f32 v3, v0;
	v1 =	vadd.f32 v1, v63;
	_ =	sdelay $0x1  }
0x161: {  	v0 =	vadd.f32 v1, v0;
	_ =	sdelay $0x1  }
0x162: {  	(xrf2) =	vadd.scan.msk.f32 $0xffff, v0;
	_ =	sdelay $0x6  }
.Ltmp8:
0x163: {  	_ = 	snop;
	(pc) =	sbr.rel .LBB2_10-.Ltmp8, $3  }
0x164: {  	_ =	sdelay $0x1  }
0x165: {  	s21 =	sadd.s32 $0x1, s22;
	v0, _, _ =	vpop (xrf2)  }
0x166: {  	[tilespmem:s21+$0x0] =	vst.msk vm0, v0  }
.LBB2_12:
0x167: {  	_ =	sfence.sel $0x180000  }
0x168: {  	[bflag:$0x0] =	sbarrier.arrive $0xFFFF  }
0x169: {  	p0 =	sne.s32 s0, $0x0;
	_ =	strace $0x90000047  }
0x16a: {  	s0 =	sadd.s32 @!p0 $0x100000, s2;
	[bflag:$0x2] =	sbarrier.arrive $0xFFFF  }
0x16b: {  	[sflag:s0] =	ssyncadd.tile.s32 @!p0 $0x1;
	_ =	shalt  }
.Lfunc_end2:
_tile_overlayer_lowered:
.L_overlay_start_2:
0x16c: {  	(tag) =	ssettag $0x2  }
0x16d: {  	s0 =	rddreg [dreg:$0x0];
	s2 =	stileid.u32  }
0x16e: {  	s1 =	rddreg [dreg:$0x1];
	p0 =	sne.s32 s2, $0x0  }
0x16f: {  	s3 =	rddreg [dreg:$0x2];
	[bflag:$0x3] =	sbarrier.arrive $0xFFFF;
	s2 =	simm.s32 @!p0 $0x1C04  }
0x170: {  	[timem:s3], [sflag:s2] =	dma.local @!p0 [hbm:s0], s1  }
0x171: {  	s0 =	simm.s32 @!p0 $0x4  }
0x172: {  	_ =	swait.ge @!p0 [sflag:s0], s1  }
0x173: {  	s1 =	ssub.s32 @!p0 $0x0, s1;
	[sflag:s0] =	ssyncset.done @!p0 $0x0  }
0x174: {  	[sflag:s0] =	ssyncadd.s32 @!p0 s1  }
0x175: {  	[bflag:$0x3] =	sbarrier.arrive $0xFFFF  }
0x176: {  	_ =	shalt  }

</sc_bundles>
